<compile_context>
chip_gen: v7x
topology: tpu7x:2x2x1
jax: 0.10.2.dev20260603
libtpu: 0.0.44.dev20260713+nightly
codegen_flags: <defaults>
</compile_context>

<pallas_src>
import functools
import math

import jax
import jax.numpy as jnp
from jax import lax
from jax.experimental import pallas as pl
from jax.experimental.pallas import tpu as pltpu
from jax.experimental.pallas import tpu_sc as plsc

NC = 2
NS = 16
L = 16
K = 16
UNROLL = 4


def _sc_body(T, D, DS, RPT, KG, NDH, inv_den,
             z_ref, ii_ref, jj_ref, out_ref,
             ii_v, jj_v, rows, acc_v, red_v, part_sh, sems):
    c = lax.axis_index("c")
    s = lax.axis_index("s")
    b = c * 2 + s // (NDH * KG)
    r8 = s % (NDH * KG)
    dh = r8 // KG
    g = r8 % KG
    DSL = DS // NDH
    base = dh * DSL

    copies = [
        pltpu.async_copy(ii_ref.at[pl.ds(base, DSL)], ii_v, sems.at[0]),
        pltpu.async_copy(jj_ref.at[pl.ds(base, DSL)], jj_v, sems.at[1]),
    ]
    row0 = (T - K) + g * RPT
    for mm in range(RPT):
        copies.append(
            pltpu.async_copy(z_ref.at[b, row0 + mm], rows[mm], sems.at[2 + mm])
        )
    for cp in copies:
        cp.wait()

    @plsc.parallel_loop(0, DSL // L, 1, unroll=UNROLL)
    def body(v):
        off = v * L
        iv = ii_v[pl.ds(off, L)]
        jv = jj_v[pl.ds(off, L)]
        acc = plsc.load_gather(rows[RPT - 1], [iv]) * plsc.load_gather(
            rows[RPT - 1], [jv])
        for mm in range(RPT - 2, -1, -1):
            zi = plsc.load_gather(rows[mm], [iv])
            zj = plsc.load_gather(rows[mm], [jv])
            acc = acc * 2.0 + zi * zj
        acc_v[pl.ds(off, L)] = acc

    pltpu.sync_copy(acc_v, part_sh.at[s // KG, g])
    plsc.subcore_barrier()

    CH = DSL // KG
    col0 = g * CH
    pltpu.sync_copy(part_sh.at[s // KG, :, pl.ds(col0, CH)], red_v)
    ratio = float(2.0 ** RPT)
    fscale = float(2.0 ** (-(K - 1))) * inv_den

    @plsc.parallel_loop(0, CH // L, 1, unroll=4)
    def rbody(v):
        off = v * L
        t = red_v[KG - 1, pl.ds(off, L)]
        for r in range(KG - 2, -1, -1):
            t = t * ratio + red_v[r, pl.ds(off, L)]
        acc_v[pl.ds(off, L)] = t * fscale
    pltpu.sync_copy(acc_v.at[pl.ds(0, CH)], out_ref.at[b, pl.ds(base + col0, CH)])


def kernel(z_hist, idx_i, idx_j, decay):
    B, T, D = z_hist.shape
    DS = idx_i.shape[0]
    assert B == 4, "kernel assumes B == 4 (one batch per 8 tiles)"
    assert DS % (L * UNROLL * 8) == 0 and T >= K
    NDH = 2
    KG = ((NC * NS) // B) // NDH
    RPT = K // KG
    del decay

    geom = (1.0 - 0.25 ** T) / (1.0 - 0.25)
    inv_den = float(1.0 / math.sqrt(geom + 1e-8))

    mesh = plsc.VectorSubcoreMesh(
        core_axis_name="c", subcore_axis_name="s", num_cores=NC, num_subcores=NS
    )
    DSL = DS // NDH
    run = pl.kernel(
        functools.partial(_sc_body, T, D, DS, RPT, KG, NDH, inv_den),
        out_type=jax.ShapeDtypeStruct((B, DS), jnp.float32),
        mesh=mesh,
        compiler_params=pltpu.CompilerParams(needs_layout_passes=False),
        scratch_types=[
            pltpu.VMEM((DSL,), jnp.int32),
            pltpu.VMEM((DSL,), jnp.int32),
            [pltpu.VMEM((D,), jnp.float32) for _ in range(RPT)],
            pltpu.VMEM((DSL,), jnp.float32),
            pltpu.VMEM((KG, DSL // KG), jnp.float32),
            pltpu.VMEM_SHARED((NS // KG, KG, DSL), jnp.float32),
            pltpu.SemaphoreType.DMA((2 + RPT,)),
        ],
    )
    return run(z_hist, idx_i, idx_j)

# --- scband reference (transcript-rebuilt; emitter-appended) ---
"""Pipeline reference for scband-synchronization-module-79293686218890 (READ-ONLY COPY).

The authoritative reference and input builder live on the scoring server;
editing this copy changes nothing except your own understanding.
"""

import jax, jax.numpy as jnp
import numpy as np

D = 4096
D_SAMPLE = 4096
B = 4
T = 2048


def setup_inputs(seed: int = 0) -> dict:
    key = jax.random.key(seed)
    k1, k2, k3, k4 = jax.random.split(key, 4)
    z_hist = jax.random.normal(k1, (B, T, D), dtype=jnp.float32)
    idx_i = jax.random.randint(k2, (D_SAMPLE,), 0, D, dtype=jnp.int32)
    idx_j = jax.random.randint(k3, (D_SAMPLE,), 0, D, dtype=jnp.int32)
    decay = jnp.zeros((D_SAMPLE,), dtype=jnp.float32)
    return {"z_hist": z_hist, "idx_i": idx_i, "idx_j": idx_j, "decay": decay}


def reference(z_hist, idx_i, idx_j, decay):
    Bv, Tv, Dv = z_hist.shape
    # gather random neuron pairs along feature dim
    z_i = jnp.take(z_hist, idx_i, axis=2)  # [B, T, D_sample]
    z_j = jnp.take(z_hist, idx_j, axis=2)  # [B, T, D_sample]
    times = jnp.arange(Tv, dtype=z_hist.dtype)[::-1]  # flipped
    weights = jnp.exp(-jax.nn.softplus(decay)[None, :] * times[:, None])  # [T, D_sample]
    num = (z_i * z_j * weights[None, :, :]).sum(axis=1)  # [B, D_sample]
    den = jnp.sqrt((weights ** 2).sum(axis=0) + 1e-08)  # [D_sample]
    return num / den

if __name__ == "__main__":
    import jax
    _d = setup_inputs()
    print(jax.jit(kernel)(*tuple(_d.values())))

</pallas_src>

<mosaic_0001>
#map = affine_map<(d0, d1) -> (0, 0, 0)>
#map1 = affine_map<(d0, d1) -> (0)>
#map2 = affine_map<(d0, d1) -> (0, 0)>
module attributes {stable_mosaic.version = 14 : i64} {
  func.func @_sc_body(%arg0: i32, %arg1: i32, %arg2: memref<4x2048x4096xf32, #tpu.memory_space<hbm>>, %arg3: memref<4096xi32, #tpu.memory_space<hbm>>, %arg4: memref<4096xi32, #tpu.memory_space<hbm>>, %arg5: memref<4x4096xf32, #tpu.memory_space<hbm>>, %arg6: memref<2048xi32, #tpu.memory_space<vmem>>, %arg7: memref<2048xi32, #tpu.memory_space<vmem>>, %arg8: memref<4096xf32, #tpu.memory_space<vmem>>, %arg9: memref<4096xf32, #tpu.memory_space<vmem>>, %arg10: memref<4096xf32, #tpu.memory_space<vmem>>, %arg11: memref<4096xf32, #tpu.memory_space<vmem>>, %arg12: memref<2048xf32, #tpu.memory_space<vmem>>, %arg13: memref<4x512xf32, #tpu.memory_space<vmem>>, %arg14: memref<4x4x2048xf32, #tpu.memory_space<vmem_shared>>, %arg15: memref<6x!tpu.dma_semaphore, #tpu.memory_space<semaphore_mem>>) attributes {dimension_semantics = [#tpu.dimension_semantics<core_parallel>, #tpu.dimension_semantics<subcore_parallel>], iteration_bounds = array<i64: 2, 16>, scalar_prefetch = 0 : i64, scratch_operands = 10 : i64, tpu.core_type = #tpu.core_type<sc_vector_subcore>, window_params = [{transform_indices = #map}, {transform_indices = #map1}, {transform_indices = #map1}, {transform_indices = #map2}]} {
    %mul3A = arith.constant 2 : i32
    %mul3A_0 = arith.muli %arg0, %mul3A : i32
    %jit3A = arith.constant 8 : i32
    %div3A = arith.divsi %arg1, %jit3A : i32
    %sign3A = arith.constant 0 : i32
    %sign3A_1 = arith.cmpi sgt, %arg1, %sign3A : i32
    %sign3A_2 = arith.extui %sign3A_1 : i1 to i32
    %sign3A_3 = arith.constant 0 : i32
    %sign3A_4 = arith.cmpi slt, %arg1, %sign3A_3 : i32
    %sign3A_5 = arith.extui %sign3A_4 : i1 to i32
    %sign3A_6 = arith.subi %sign3A_2, %sign3A_5 : i32
    %sign3A_7 = arith.constant 0 : i32
    %sign3A_8 = arith.cmpi sgt, %jit3A, %sign3A_7 : i32
    %sign3A_9 = arith.extui %sign3A_8 : i1 to i32
    %sign3A_10 = arith.constant 0 : i32
    %sign3A_11 = arith.cmpi slt, %jit3A, %sign3A_10 : i32
    %sign3A_12 = arith.extui %sign3A_11 : i1 to i32
    %sign3A_13 = arith.subi %sign3A_9, %sign3A_12 : i32
    %ne3A = arith.cmpi ne, %sign3A_6, %sign3A_13 : i32
    %rem3A = arith.remsi %arg1, %jit3A : i32
    %ne3A_14 = arith.constant 0 : i32
    %ne3A_15 = arith.cmpi ne, %rem3A, %ne3A_14 : i32
    %and3A = arith.andi %ne3A, %ne3A_15 : i1
    %sub3A = arith.constant 1 : i32
    %sub3A_16 = arith.subi %div3A, %sub3A : i32
    %select_n3A = arith.select %and3A, %sub3A_16, %div3A : i32
    %add3A = arith.addi %mul3A_0, %select_n3A : i32
    %jit3A_17 = arith.constant 8 : i32
    %eq3A = arith.constant 0 : i32
    %eq3A_18 = arith.cmpi eq, %jit3A_17, %eq3A : i32
    %jit3A_19 = arith.constant 1 : i32
    %select_n3A_20 = arith.select %eq3A_18, %jit3A_19, %jit3A_17 : i32
    %rem3A_21 = arith.remsi %arg1, %select_n3A_20 : i32
    %ne3A_22 = arith.constant 0 : i32
    %ne3A_23 = arith.cmpi ne, %rem3A_21, %ne3A_22 : i32
    %lt3A = arith.constant 0 : i32
    %lt3A_24 = arith.cmpi slt, %rem3A_21, %lt3A : i32
    %lt3A_25 = arith.constant 0 : i32
    %lt3A_26 = arith.cmpi slt, %select_n3A_20, %lt3A_25 : i32
    %ne3A_27 = arith.xori %lt3A_24, %lt3A_26 : i1
    %and3A_28 = arith.andi %ne3A_27, %ne3A_23 : i1
    %add3A_29 = arith.addi %rem3A_21, %select_n3A_20 : i32
    %select_n3A_30 = arith.select %and3A_28, %add3A_29, %rem3A_21 : i32
    %jit3A_31 = arith.constant 4 : i32
    %div3A_32 = arith.divsi %select_n3A_30, %jit3A_31 : i32
    %sign3A_33 = arith.constant 0 : i32
    %sign3A_34 = arith.cmpi sgt, %select_n3A_30, %sign3A_33 : i32
    %sign3A_35 = arith.extui %sign3A_34 : i1 to i32
    %sign3A_36 = arith.constant 0 : i32
    %sign3A_37 = arith.cmpi slt, %select_n3A_30, %sign3A_36 : i32
    %sign3A_38 = arith.extui %sign3A_37 : i1 to i32
    %sign3A_39 = arith.subi %sign3A_35, %sign3A_38 : i32
    %sign3A_40 = arith.constant 0 : i32
    %sign3A_41 = arith.cmpi sgt, %jit3A_31, %sign3A_40 : i32
    %sign3A_42 = arith.extui %sign3A_41 : i1 to i32
    %sign3A_43 = arith.constant 0 : i32
    %sign3A_44 = arith.cmpi slt, %jit3A_31, %sign3A_43 : i32
    %sign3A_45 = arith.extui %sign3A_44 : i1 to i32
    %sign3A_46 = arith.subi %sign3A_42, %sign3A_45 : i32
    %ne3A_47 = arith.cmpi ne, %sign3A_39, %sign3A_46 : i32
    %rem3A_48 = arith.remsi %select_n3A_30, %jit3A_31 : i32
    %ne3A_49 = arith.constant 0 : i32
    %ne3A_50 = arith.cmpi ne, %rem3A_48, %ne3A_49 : i32
    %and3A_51 = arith.andi %ne3A_47, %ne3A_50 : i1
    %sub3A_52 = arith.constant 1 : i32
    %sub3A_53 = arith.subi %div3A_32, %sub3A_52 : i32
    %select_n3A_54 = arith.select %and3A_51, %sub3A_53, %div3A_32 : i32
    %jit3A_55 = arith.constant 4 : i32
    %eq3A_56 = arith.constant 0 : i32
    %eq3A_57 = arith.cmpi eq, %jit3A_55, %eq3A_56 : i32
    %jit3A_58 = arith.constant 1 : i32
    %select_n3A_59 = arith.select %eq3A_57, %jit3A_58, %jit3A_55 : i32
    %rem3A_60 = arith.remsi %select_n3A_30, %select_n3A_59 : i32
    %ne3A_61 = arith.constant 0 : i32
    %ne3A_62 = arith.cmpi ne, %rem3A_60, %ne3A_61 : i32
    %lt3A_63 = arith.constant 0 : i32
    %lt3A_64 = arith.cmpi slt, %rem3A_60, %lt3A_63 : i32
    %lt3A_65 = arith.constant 0 : i32
    %lt3A_66 = arith.cmpi slt, %select_n3A_59, %lt3A_65 : i32
    %ne3A_67 = arith.xori %lt3A_64, %lt3A_66 : i1
    %and3A_68 = arith.andi %ne3A_67, %ne3A_62 : i1
    %add3A_69 = arith.addi %rem3A_60, %select_n3A_59 : i32
    %select_n3A_70 = arith.select %and3A_68, %add3A_69, %rem3A_60 : i32
    %mul3A_71 = arith.constant 2048 : i32
    %mul3A_72 = arith.muli %select_n3A_54, %mul3A_71 : i32
    %dma_start3A = arith.constant 0 : i32
    %dma_start3A_73 = tpu.memref_slice %arg3[%mul3A_72] : memref<4096xi32, #tpu.memory_space<hbm>> -> memref<2048xi32, #tpu.memory_space<hbm>>
    %dma_start3A_74 = tpu.memref_slice %arg15[%dma_start3A] : memref<6x!tpu.dma_semaphore, #tpu.memory_space<semaphore_mem>> -> memref<1x!tpu.dma_semaphore, #tpu.memory_space<semaphore_mem>>
    %dma_start3A_75 = tpu.memref_squeeze %dma_start3A_74 : memref<1x!tpu.dma_semaphore, #tpu.memory_space<semaphore_mem>> -> memref<!tpu.dma_semaphore, #tpu.memory_space<semaphore_mem>>
    %dma_start3A_76 = tpu.memref_slice %arg3[%mul3A_72] : memref<4096xi32, #tpu.memory_space<hbm>> -> memref<2048xi32, #tpu.memory_space<hbm>>
    tpu.enqueue_dma source(%dma_start3A_76 : memref<2048xi32, #tpu.memory_space<hbm>>) target(%arg6 : memref<2048xi32, #tpu.memory_space<vmem>>) target_semaphore(%dma_start3A_75 : memref<!tpu.dma_semaphore, #tpu.memory_space<semaphore_mem>>)
    %dma_start3A_77 = arith.constant 1 : i32
    %dma_start3A_78 = tpu.memref_slice %arg4[%mul3A_72] : memref<4096xi32, #tpu.memory_space<hbm>> -> memref<2048xi32, #tpu.memory_space<hbm>>
    %dma_start3A_79 = tpu.memref_slice %arg15[%dma_start3A_77] : memref<6x!tpu.dma_semaphore, #tpu.memory_space<semaphore_mem>> -> memref<1x!tpu.dma_semaphore, #tpu.memory_space<semaphore_mem>>
    %dma_start3A_80 = tpu.memref_squeeze %dma_start3A_79 : memref<1x!tpu.dma_semaphore, #tpu.memory_space<semaphore_mem>> -> memref<!tpu.dma_semaphore, #tpu.memory_space<semaphore_mem>>
    %dma_start3A_81 = tpu.memref_slice %arg4[%mul3A_72] : memref<4096xi32, #tpu.memory_space<hbm>> -> memref<2048xi32, #tpu.memory_space<hbm>>
    tpu.enqueue_dma source(%dma_start3A_81 : memref<2048xi32, #tpu.memory_space<hbm>>) target(%arg7 : memref<2048xi32, #tpu.memory_space<vmem>>) target_semaphore(%dma_start3A_80 : memref<!tpu.dma_semaphore, #tpu.memory_space<semaphore_mem>>)
    %mul3A_82 = arith.constant 4 : i32
    %mul3A_83 = arith.muli %select_n3A_70, %mul3A_82 : i32
    %add3A_84 = arith.constant 2032 : i32
    %add3A_85 = arith.addi %add3A_84, %mul3A_83 : i32
    %add3A_86 = arith.constant 0 : i32
    %add3A_87 = arith.addi %add3A_85, %add3A_86 : i32
    %dma_start3A_88 = arith.constant 2 : i32
    %dma_start3A_89 = arith.constant 0 : i32
    %dma_start3A_90 = tpu.memref_slice %arg2[%add3A, %add3A_87, %dma_start3A_89] : memref<4x2048x4096xf32, #tpu.memory_space<hbm>> -> memref<1x1x4096xf32, #tpu.memory_space<hbm>>
    %dma_start3A_91 = tpu.memref_squeeze %dma_start3A_90 : memref<1x1x4096xf32, #tpu.memory_space<hbm>> -> memref<4096xf32, #tpu.memory_space<hbm>>
    %dma_start3A_92 = tpu.memref_slice %arg15[%dma_start3A_88] : memref<6x!tpu.dma_semaphore, #tpu.memory_space<semaphore_mem>> -> memref<1x!tpu.dma_semaphore, #tpu.memory_space<semaphore_mem>>
    %dma_start3A_93 = tpu.memref_squeeze %dma_start3A_92 : memref<1x!tpu.dma_semaphore, #tpu.memory_space<semaphore_mem>> -> memref<!tpu.dma_semaphore, #tpu.memory_space<semaphore_mem>>
    %dma_start3A_94 = arith.constant 0 : i32
    %dma_start3A_95 = tpu.memref_slice %arg2[%add3A, %add3A_87, %dma_start3A_94] : memref<4x2048x4096xf32, #tpu.memory_space<hbm>> -> memref<1x1x4096xf32, #tpu.memory_space<hbm>>
    %dma_start3A_96 = tpu.memref_squeeze %dma_start3A_95 : memref<1x1x4096xf32, #tpu.memory_space<hbm>> -> memref<4096xf32, #tpu.memory_space<hbm>>
    tpu.enqueue_dma source(%dma_start3A_96 : memref<4096xf32, #tpu.memory_space<hbm>>) target(%arg8 : memref<4096xf32, #tpu.memory_space<vmem>>) target_semaphore(%dma_start3A_93 : memref<!tpu.dma_semaphore, #tpu.memory_space<semaphore_mem>>)
    %add3A_97 = arith.constant 1 : i32
    %add3A_98 = arith.addi %add3A_85, %add3A_97 : i32
    %dma_start3A_99 = arith.constant 3 : i32
    %dma_start3A_100 = arith.constant 0 : i32
    %dma_start3A_101 = tpu.memref_slice %arg2[%add3A, %add3A_98, %dma_start3A_100] : memref<4x2048x4096xf32, #tpu.memory_space<hbm>> -> memref<1x1x4096xf32, #tpu.memory_space<hbm>>
    %dma_start3A_102 = tpu.memref_squeeze %dma_start3A_101 : memref<1x1x4096xf32, #tpu.memory_space<hbm>> -> memref<4096xf32, #tpu.memory_space<hbm>>
    %dma_start3A_103 = tpu.memref_slice %arg15[%dma_start3A_99] : memref<6x!tpu.dma_semaphore, #tpu.memory_space<semaphore_mem>> -> memref<1x!tpu.dma_semaphore, #tpu.memory_space<semaphore_mem>>
    %dma_start3A_104 = tpu.memref_squeeze %dma_start3A_103 : memref<1x!tpu.dma_semaphore, #tpu.memory_space<semaphore_mem>> -> memref<!tpu.dma_semaphore, #tpu.memory_space<semaphore_mem>>
    %dma_start3A_105 = arith.constant 0 : i32
    %dma_start3A_106 = tpu.memref_slice %arg2[%add3A, %add3A_98, %dma_start3A_105] : memref<4x2048x4096xf32, #tpu.memory_space<hbm>> -> memref<1x1x4096xf32, #tpu.memory_space<hbm>>
    %dma_start3A_107 = tpu.memref_squeeze %dma_start3A_106 : memref<1x1x4096xf32, #tpu.memory_space<hbm>> -> memref<4096xf32, #tpu.memory_space<hbm>>
    tpu.enqueue_dma source(%dma_start3A_107 : memref<4096xf32, #tpu.memory_space<hbm>>) target(%arg9 : memref<4096xf32, #tpu.memory_space<vmem>>) target_semaphore(%dma_start3A_104 : memref<!tpu.dma_semaphore, #tpu.memory_space<semaphore_mem>>)
    %add3A_108 = arith.constant 2 : i32
    %add3A_109 = arith.addi %add3A_85, %add3A_108 : i32
    %dma_start3A_110 = arith.constant 4 : i32
    %dma_start3A_111 = arith.constant 0 : i32
    %dma_start3A_112 = tpu.memref_slice %arg2[%add3A, %add3A_109, %dma_start3A_111] : memref<4x2048x4096xf32, #tpu.memory_space<hbm>> -> memref<1x1x4096xf32, #tpu.memory_space<hbm>>
    %dma_start3A_113 = tpu.memref_squeeze %dma_start3A_112 : memref<1x1x4096xf32, #tpu.memory_space<hbm>> -> memref<4096xf32, #tpu.memory_space<hbm>>
    %dma_start3A_114 = tpu.memref_slice %arg15[%dma_start3A_110] : memref<6x!tpu.dma_semaphore, #tpu.memory_space<semaphore_mem>> -> memref<1x!tpu.dma_semaphore, #tpu.memory_space<semaphore_mem>>
    %dma_start3A_115 = tpu.memref_squeeze %dma_start3A_114 : memref<1x!tpu.dma_semaphore, #tpu.memory_space<semaphore_mem>> -> memref<!tpu.dma_semaphore, #tpu.memory_space<semaphore_mem>>
    %dma_start3A_116 = arith.constant 0 : i32
    %dma_start3A_117 = tpu.memref_slice %arg2[%add3A, %add3A_109, %dma_start3A_116] : memref<4x2048x4096xf32, #tpu.memory_space<hbm>> -> memref<1x1x4096xf32, #tpu.memory_space<hbm>>
    %dma_start3A_118 = tpu.memref_squeeze %dma_start3A_117 : memref<1x1x4096xf32, #tpu.memory_space<hbm>> -> memref<4096xf32, #tpu.memory_space<hbm>>
    tpu.enqueue_dma source(%dma_start3A_118 : memref<4096xf32, #tpu.memory_space<hbm>>) target(%arg10 : memref<4096xf32, #tpu.memory_space<vmem>>) target_semaphore(%dma_start3A_115 : memref<!tpu.dma_semaphore, #tpu.memory_space<semaphore_mem>>)
    %add3A_119 = arith.constant 3 : i32
    %add3A_120 = arith.addi %add3A_85, %add3A_119 : i32
    %dma_start3A_121 = arith.constant 5 : i32
    %dma_start3A_122 = arith.constant 0 : i32
    %dma_start3A_123 = tpu.memref_slice %arg2[%add3A, %add3A_120, %dma_start3A_122] : memref<4x2048x4096xf32, #tpu.memory_space<hbm>> -> memref<1x1x4096xf32, #tpu.memory_space<hbm>>
    %dma_start3A_124 = tpu.memref_squeeze %dma_start3A_123 : memref<1x1x4096xf32, #tpu.memory_space<hbm>> -> memref<4096xf32, #tpu.memory_space<hbm>>
    %dma_start3A_125 = tpu.memref_slice %arg15[%dma_start3A_121] : memref<6x!tpu.dma_semaphore, #tpu.memory_space<semaphore_mem>> -> memref<1x!tpu.dma_semaphore, #tpu.memory_space<semaphore_mem>>
    %dma_start3A_126 = tpu.memref_squeeze %dma_start3A_125 : memref<1x!tpu.dma_semaphore, #tpu.memory_space<semaphore_mem>> -> memref<!tpu.dma_semaphore, #tpu.memory_space<semaphore_mem>>
    %dma_start3A_127 = arith.constant 0 : i32
    %dma_start3A_128 = tpu.memref_slice %arg2[%add3A, %add3A_120, %dma_start3A_127] : memref<4x2048x4096xf32, #tpu.memory_space<hbm>> -> memref<1x1x4096xf32, #tpu.memory_space<hbm>>
    %dma_start3A_129 = tpu.memref_squeeze %dma_start3A_128 : memref<1x1x4096xf32, #tpu.memory_space<hbm>> -> memref<4096xf32, #tpu.memory_space<hbm>>
    tpu.enqueue_dma source(%dma_start3A_129 : memref<4096xf32, #tpu.memory_space<hbm>>) target(%arg11 : memref<4096xf32, #tpu.memory_space<vmem>>) target_semaphore(%dma_start3A_126 : memref<!tpu.dma_semaphore, #tpu.memory_space<semaphore_mem>>)
    %dma_wait3A = arith.constant 0 : i32
    %dma_wait3A_130 = tpu.memref_slice %arg3[%mul3A_72] : memref<4096xi32, #tpu.memory_space<hbm>> -> memref<2048xi32, #tpu.memory_space<hbm>>
    %dma_wait3A_131 = tpu.memref_slice %arg15[%dma_wait3A] : memref<6x!tpu.dma_semaphore, #tpu.memory_space<semaphore_mem>> -> memref<1x!tpu.dma_semaphore, #tpu.memory_space<semaphore_mem>>
    %dma_wait3A_132 = tpu.memref_squeeze %dma_wait3A_131 : memref<1x!tpu.dma_semaphore, #tpu.memory_space<semaphore_mem>> -> memref<!tpu.dma_semaphore, #tpu.memory_space<semaphore_mem>>
    %dma_wait3A_133 = tpu.memref_slice %arg3[%mul3A_72] : memref<4096xi32, #tpu.memory_space<hbm>> -> memref<2048xi32, #tpu.memory_space<hbm>>
    tpu.wait_dma2 semaphore(%dma_wait3A_132 : memref<!tpu.dma_semaphore, #tpu.memory_space<semaphore_mem>>) src(%dma_wait3A_133 : memref<2048xi32, #tpu.memory_space<hbm>>) dst(%arg6 : memref<2048xi32, #tpu.memory_space<vmem>>)
    %dma_wait3A_134 = arith.constant 1 : i32
    %dma_wait3A_135 = tpu.memref_slice %arg4[%mul3A_72] : memref<4096xi32, #tpu.memory_space<hbm>> -> memref<2048xi32, #tpu.memory_space<hbm>>
    %dma_wait3A_136 = tpu.memref_slice %arg15[%dma_wait3A_134] : memref<6x!tpu.dma_semaphore, #tpu.memory_space<semaphore_mem>> -> memref<1x!tpu.dma_semaphore, #tpu.memory_space<semaphore_mem>>
    %dma_wait3A_137 = tpu.memref_squeeze %dma_wait3A_136 : memref<1x!tpu.dma_semaphore, #tpu.memory_space<semaphore_mem>> -> memref<!tpu.dma_semaphore, #tpu.memory_space<semaphore_mem>>
    %dma_wait3A_138 = tpu.memref_slice %arg4[%mul3A_72] : memref<4096xi32, #tpu.memory_space<hbm>> -> memref<2048xi32, #tpu.memory_space<hbm>>
    tpu.wait_dma2 semaphore(%dma_wait3A_137 : memref<!tpu.dma_semaphore, #tpu.memory_space<semaphore_mem>>) src(%dma_wait3A_138 : memref<2048xi32, #tpu.memory_space<hbm>>) dst(%arg7 : memref<2048xi32, #tpu.memory_space<vmem>>)
    %dma_wait3A_139 = arith.constant 2 : i32
    %dma_wait3A_140 = arith.constant 0 : i32
    %dma_wait3A_141 = tpu.memref_slice %arg2[%add3A, %add3A_87, %dma_wait3A_140] : memref<4x2048x4096xf32, #tpu.memory_space<hbm>> -> memref<1x1x4096xf32, #tpu.memory_space<hbm>>
    %dma_wait3A_142 = tpu.memref_squeeze %dma_wait3A_141 : memref<1x1x4096xf32, #tpu.memory_space<hbm>> -> memref<4096xf32, #tpu.memory_space<hbm>>
    %dma_wait3A_143 = tpu.memref_slice %arg15[%dma_wait3A_139] : memref<6x!tpu.dma_semaphore, #tpu.memory_space<semaphore_mem>> -> memref<1x!tpu.dma_semaphore, #tpu.memory_space<semaphore_mem>>
    %dma_wait3A_144 = tpu.memref_squeeze %dma_wait3A_143 : memref<1x!tpu.dma_semaphore, #tpu.memory_space<semaphore_mem>> -> memref<!tpu.dma_semaphore, #tpu.memory_space<semaphore_mem>>
    %dma_wait3A_145 = arith.constant 0 : i32
    %dma_wait3A_146 = tpu.memref_slice %arg2[%add3A, %add3A_87, %dma_wait3A_145] : memref<4x2048x4096xf32, #tpu.memory_space<hbm>> -> memref<1x1x4096xf32, #tpu.memory_space<hbm>>
    %dma_wait3A_147 = tpu.memref_squeeze %dma_wait3A_146 : memref<1x1x4096xf32, #tpu.memory_space<hbm>> -> memref<4096xf32, #tpu.memory_space<hbm>>
    tpu.wait_dma2 semaphore(%dma_wait3A_144 : memref<!tpu.dma_semaphore, #tpu.memory_space<semaphore_mem>>) src(%dma_wait3A_147 : memref<4096xf32, #tpu.memory_space<hbm>>) dst(%arg8 : memref<4096xf32, #tpu.memory_space<vmem>>)
    %dma_wait3A_148 = arith.constant 3 : i32
    %dma_wait3A_149 = arith.constant 0 : i32
    %dma_wait3A_150 = tpu.memref_slice %arg2[%add3A, %add3A_98, %dma_wait3A_149] : memref<4x2048x4096xf32, #tpu.memory_space<hbm>> -> memref<1x1x4096xf32, #tpu.memory_space<hbm>>
    %dma_wait3A_151 = tpu.memref_squeeze %dma_wait3A_150 : memref<1x1x4096xf32, #tpu.memory_space<hbm>> -> memref<4096xf32, #tpu.memory_space<hbm>>
    %dma_wait3A_152 = tpu.memref_slice %arg15[%dma_wait3A_148] : memref<6x!tpu.dma_semaphore, #tpu.memory_space<semaphore_mem>> -> memref<1x!tpu.dma_semaphore, #tpu.memory_space<semaphore_mem>>
    %dma_wait3A_153 = tpu.memref_squeeze %dma_wait3A_152 : memref<1x!tpu.dma_semaphore, #tpu.memory_space<semaphore_mem>> -> memref<!tpu.dma_semaphore, #tpu.memory_space<semaphore_mem>>
    %dma_wait3A_154 = arith.constant 0 : i32
    %dma_wait3A_155 = tpu.memref_slice %arg2[%add3A, %add3A_98, %dma_wait3A_154] : memref<4x2048x4096xf32, #tpu.memory_space<hbm>> -> memref<1x1x4096xf32, #tpu.memory_space<hbm>>
    %dma_wait3A_156 = tpu.memref_squeeze %dma_wait3A_155 : memref<1x1x4096xf32, #tpu.memory_space<hbm>> -> memref<4096xf32, #tpu.memory_space<hbm>>
    tpu.wait_dma2 semaphore(%dma_wait3A_153 : memref<!tpu.dma_semaphore, #tpu.memory_space<semaphore_mem>>) src(%dma_wait3A_156 : memref<4096xf32, #tpu.memory_space<hbm>>) dst(%arg9 : memref<4096xf32, #tpu.memory_space<vmem>>)
    %dma_wait3A_157 = arith.constant 4 : i32
    %dma_wait3A_158 = arith.constant 0 : i32
    %dma_wait3A_159 = tpu.memref_slice %arg2[%add3A, %add3A_109, %dma_wait3A_158] : memref<4x2048x4096xf32, #tpu.memory_space<hbm>> -> memref<1x1x4096xf32, #tpu.memory_space<hbm>>
    %dma_wait3A_160 = tpu.memref_squeeze %dma_wait3A_159 : memref<1x1x4096xf32, #tpu.memory_space<hbm>> -> memref<4096xf32, #tpu.memory_space<hbm>>
    %dma_wait3A_161 = tpu.memref_slice %arg15[%dma_wait3A_157] : memref<6x!tpu.dma_semaphore, #tpu.memory_space<semaphore_mem>> -> memref<1x!tpu.dma_semaphore, #tpu.memory_space<semaphore_mem>>
    %dma_wait3A_162 = tpu.memref_squeeze %dma_wait3A_161 : memref<1x!tpu.dma_semaphore, #tpu.memory_space<semaphore_mem>> -> memref<!tpu.dma_semaphore, #tpu.memory_space<semaphore_mem>>
    %dma_wait3A_163 = arith.constant 0 : i32
    %dma_wait3A_164 = tpu.memref_slice %arg2[%add3A, %add3A_109, %dma_wait3A_163] : memref<4x2048x4096xf32, #tpu.memory_space<hbm>> -> memref<1x1x4096xf32, #tpu.memory_space<hbm>>
    %dma_wait3A_165 = tpu.memref_squeeze %dma_wait3A_164 : memref<1x1x4096xf32, #tpu.memory_space<hbm>> -> memref<4096xf32, #tpu.memory_space<hbm>>
    tpu.wait_dma2 semaphore(%dma_wait3A_162 : memref<!tpu.dma_semaphore, #tpu.memory_space<semaphore_mem>>) src(%dma_wait3A_165 : memref<4096xf32, #tpu.memory_space<hbm>>) dst(%arg10 : memref<4096xf32, #tpu.memory_space<vmem>>)
    %dma_wait3A_166 = arith.constant 5 : i32
    %dma_wait3A_167 = arith.constant 0 : i32
    %dma_wait3A_168 = tpu.memref_slice %arg2[%add3A, %add3A_120, %dma_wait3A_167] : memref<4x2048x4096xf32, #tpu.memory_space<hbm>> -> memref<1x1x4096xf32, #tpu.memory_space<hbm>>
    %dma_wait3A_169 = tpu.memref_squeeze %dma_wait3A_168 : memref<1x1x4096xf32, #tpu.memory_space<hbm>> -> memref<4096xf32, #tpu.memory_space<hbm>>
    %dma_wait3A_170 = tpu.memref_slice %arg15[%dma_wait3A_166] : memref<6x!tpu.dma_semaphore, #tpu.memory_space<semaphore_mem>> -> memref<1x!tpu.dma_semaphore, #tpu.memory_space<semaphore_mem>>
    %dma_wait3A_171 = tpu.memref_squeeze %dma_wait3A_170 : memref<1x!tpu.dma_semaphore, #tpu.memory_space<semaphore_mem>> -> memref<!tpu.dma_semaphore, #tpu.memory_space<semaphore_mem>>
    %dma_wait3A_172 = arith.constant 0 : i32
    %dma_wait3A_173 = tpu.memref_slice %arg2[%add3A, %add3A_120, %dma_wait3A_172] : memref<4x2048x4096xf32, #tpu.memory_space<hbm>> -> memref<1x1x4096xf32, #tpu.memory_space<hbm>>
    %dma_wait3A_174 = tpu.memref_squeeze %dma_wait3A_173 : memref<1x1x4096xf32, #tpu.memory_space<hbm>> -> memref<4096xf32, #tpu.memory_space<hbm>>
    tpu.wait_dma2 semaphore(%dma_wait3A_171 : memref<!tpu.dma_semaphore, #tpu.memory_space<semaphore_mem>>) src(%dma_wait3A_174 : memref<4096xf32, #tpu.memory_space<hbm>>) dst(%arg11 : memref<4096xf32, #tpu.memory_space<vmem>>)
    %parallel_loop3A = arith.constant 0 : i32
    %parallel_loop3A_175 = arith.constant 128 : i32
    %parallel_loop3A_176 = arith.constant 1 : i32
    scf.for %parallel_loop3A_231 = %parallel_loop3A to %parallel_loop3A_175 step %parallel_loop3A_176  : i32 {
      %parallel_loop3A_232 = arith.constant 16 : i32
      %parallel_loop3A_233 = arith.muli %parallel_loop3A_231, %parallel_loop3A_232 : i32
      %parallel_loop3A_234 = arith.index_cast %parallel_loop3A_233 : i32 to index
      %parallel_loop3A_235 = tpu.vector_load %arg6[%parallel_loop3A_234] {strides = array<i32>} : memref<2048xi32, #tpu.memory_space<vmem>>, vector<16xi32>,
      %parallel_loop3A_236 = arith.index_cast %parallel_loop3A_233 : i32 to index
      %parallel_loop3A_237 = tpu.vector_load %arg7[%parallel_loop3A_236] {strides = array<i32>} : memref<2048xi32, #tpu.memory_space<vmem>>, vector<16xi32>,
      %parallel_loop3A_238 = tpu.vector_load_idx %arg11[%parallel_loop3A_235] : memref<4096xf32, #tpu.memory_space<vmem>>[vector<16xi32>], vector<16xf32>,
      %parallel_loop3A_239 = tpu.vector_load_idx %arg11[%parallel_loop3A_237] : memref<4096xf32, #tpu.memory_space<vmem>>[vector<16xi32>], vector<16xf32>,
      %parallel_loop3A_240 = arith.mulf %parallel_loop3A_238, %parallel_loop3A_239 : vector<16xf32>
      %parallel_loop3A_241 = tpu.vector_load_idx %arg10[%parallel_loop3A_235] : memref<4096xf32, #tpu.memory_space<vmem>>[vector<16xi32>], vector<16xf32>,
      %parallel_loop3A_242 = tpu.vector_load_idx %arg10[%parallel_loop3A_237] : memref<4096xf32, #tpu.memory_space<vmem>>[vector<16xi32>], vector<16xf32>,
      %parallel_loop3A_243 = arith.constant 2.000000e+00 : f32
      %parallel_loop3A_244 = vector.broadcast %parallel_loop3A_243 : f32 to vector<16xf32>
      %parallel_loop3A_245 = arith.mulf %parallel_loop3A_240, %parallel_loop3A_244 : vector<16xf32>
      %parallel_loop3A_246 = arith.mulf %parallel_loop3A_241, %parallel_loop3A_242 : vector<16xf32>
      %parallel_loop3A_247 = arith.addf %parallel_loop3A_245, %parallel_loop3A_246 : vector<16xf32>
      %parallel_loop3A_248 = tpu.vector_load_idx %arg9[%parallel_loop3A_235] : memref<4096xf32, #tpu.memory_space<vmem>>[vector<16xi32>], vector<16xf32>,
      %parallel_loop3A_249 = tpu.vector_load_idx %arg9[%parallel_loop3A_237] : memref<4096xf32, #tpu.memory_space<vmem>>[vector<16xi32>], vector<16xf32>,
      %parallel_loop3A_250 = arith.constant 2.000000e+00 : f32
      %parallel_loop3A_251 = vector.broadcast %parallel_loop3A_250 : f32 to vector<16xf32>
      %parallel_loop3A_252 = arith.mulf %parallel_loop3A_247, %parallel_loop3A_251 : vector<16xf32>
      %parallel_loop3A_253 = arith.mulf %parallel_loop3A_248, %parallel_loop3A_249 : vector<16xf32>
      %parallel_loop3A_254 = arith.addf %parallel_loop3A_252, %parallel_loop3A_253 : vector<16xf32>
      %parallel_loop3A_255 = tpu.vector_load_idx %arg8[%parallel_loop3A_235] : memref<4096xf32, #tpu.memory_space<vmem>>[vector<16xi32>], vector<16xf32>,
      %parallel_loop3A_256 = tpu.vector_load_idx %arg8[%parallel_loop3A_237] : memref<4096xf32, #tpu.memory_space<vmem>>[vector<16xi32>], vector<16xf32>,
      %parallel_loop3A_257 = arith.constant 2.000000e+00 : f32
      %parallel_loop3A_258 = vector.broadcast %parallel_loop3A_257 : f32 to vector<16xf32>
      %parallel_loop3A_259 = arith.mulf %parallel_loop3A_254, %parallel_loop3A_258 : vector<16xf32>
      %parallel_loop3A_260 = arith.mulf %parallel_loop3A_255, %parallel_loop3A_256 : vector<16xf32>
      %parallel_loop3A_261 = arith.addf %parallel_loop3A_259, %parallel_loop3A_260 : vector<16xf32>
      %parallel_loop3A_262 = arith.index_cast %parallel_loop3A_233 : i32 to index
      %parallel_loop3A_263 = tpu.vector_load %arg12[%parallel_loop3A_262] {strides = array<i32>} : memref<2048xf32, #tpu.memory_space<vmem>>, vector<16xf32>,
      tpu.vector_store %arg12[%parallel_loop3A_262], %parallel_loop3A_261 {strides = array<i32>} : memref<2048xf32, #tpu.memory_space<vmem>>, vector<16xf32>,
    } {sc.loop_unroll_factor = 4 : i64, sc.parallel_access}
    %jit3A_177 = arith.constant 4 : i32
    %div3A_178 = arith.divsi %arg1, %jit3A_177 : i32
    %sign3A_179 = arith.constant 0 : i32
    %sign3A_180 = arith.cmpi sgt, %arg1, %sign3A_179 : i32
    %sign3A_181 = arith.extui %sign3A_180 : i1 to i32
    %sign3A_182 = arith.constant 0 : i32
    %sign3A_183 = arith.cmpi slt, %arg1, %sign3A_182 : i32
    %sign3A_184 = arith.extui %sign3A_183 : i1 to i32
    %sign3A_185 = arith.subi %sign3A_181, %sign3A_184 : i32
    %sign3A_186 = arith.constant 0 : i32
    %sign3A_187 = arith.cmpi sgt, %jit3A_177, %sign3A_186 : i32
    %sign3A_188 = arith.extui %sign3A_187 : i1 to i32
    %sign3A_189 = arith.constant 0 : i32
    %sign3A_190 = arith.cmpi slt, %jit3A_177, %sign3A_189 : i32
    %sign3A_191 = arith.extui %sign3A_190 : i1 to i32
    %sign3A_192 = arith.subi %sign3A_188, %sign3A_191 : i32
    %ne3A_193 = arith.cmpi ne, %sign3A_185, %sign3A_192 : i32
    %rem3A_194 = arith.remsi %arg1, %jit3A_177 : i32
    %ne3A_195 = arith.constant 0 : i32
    %ne3A_196 = arith.cmpi ne, %rem3A_194, %ne3A_195 : i32
    %and3A_197 = arith.andi %ne3A_193, %ne3A_196 : i1
    %sub3A_198 = arith.constant 1 : i32
    %sub3A_199 = arith.subi %div3A_178, %sub3A_198 : i32
    %select_n3A_200 = arith.select %and3A_197, %sub3A_199, %div3A_178 : i32
    "tpu.region"() ({
      %run_scoped3A = tpu.sem_alloc : memref<!tpu.dma_semaphore, #tpu.memory_space<semaphore_mem>>
      %dma_start3A_231 = arith.constant 0 : i32
      %dma_start3A_232 = tpu.memref_slice %arg14[%select_n3A_200, %select_n3A_70, %dma_start3A_231] : memref<4x4x2048xf32, #tpu.memory_space<vmem_shared>> -> memref<1x1x2048xf32, #tpu.memory_space<vmem_shared>>
      %dma_start3A_233 = tpu.memref_squeeze %dma_start3A_232 : memref<1x1x2048xf32, #tpu.memory_space<vmem_shared>> -> memref<2048xf32, #tpu.memory_space<vmem_shared>>
      %dma_start3A_234 = arith.constant 0 : i32
      %dma_start3A_235 = tpu.memref_slice %arg14[%select_n3A_200, %select_n3A_70, %dma_start3A_234] : memref<4x4x2048xf32, #tpu.memory_space<vmem_shared>> -> memref<1x1x2048xf32, #tpu.memory_space<vmem_shared>>
      %dma_start3A_236 = tpu.memref_squeeze %dma_start3A_235 : memref<1x1x2048xf32, #tpu.memory_space<vmem_shared>> -> memref<2048xf32, #tpu.memory_space<vmem_shared>>
      tpu.enqueue_dma source(%arg12 : memref<2048xf32, #tpu.memory_space<vmem>>) target(%dma_start3A_236 : memref<2048xf32, #tpu.memory_space<vmem_shared>>) target_semaphore(%run_scoped3A : memref<!tpu.dma_semaphore, #tpu.memory_space<semaphore_mem>>)
      %dma_wait3A_237 = arith.constant 0 : i32
      %dma_wait3A_238 = tpu.memref_slice %arg14[%select_n3A_200, %select_n3A_70, %dma_wait3A_237] : memref<4x4x2048xf32, #tpu.memory_space<vmem_shared>> -> memref<1x1x2048xf32, #tpu.memory_space<vmem_shared>>
      %dma_wait3A_239 = tpu.memref_squeeze %dma_wait3A_238 : memref<1x1x2048xf32, #tpu.memory_space<vmem_shared>> -> memref<2048xf32, #tpu.memory_space<vmem_shared>>
      %dma_wait3A_240 = arith.constant 0 : i32
      %dma_wait3A_241 = tpu.memref_slice %arg14[%select_n3A_200, %select_n3A_70, %dma_wait3A_240] : memref<4x4x2048xf32, #tpu.memory_space<vmem_shared>> -> memref<1x1x2048xf32, #tpu.memory_space<vmem_shared>>
      %dma_wait3A_242 = tpu.memref_squeeze %dma_wait3A_241 : memref<1x1x2048xf32, #tpu.memory_space<vmem_shared>> -> memref<2048xf32, #tpu.memory_space<vmem_shared>>
      tpu.wait_dma2 semaphore(%run_scoped3A : memref<!tpu.dma_semaphore, #tpu.memory_space<semaphore_mem>>) src(%arg12 : memref<2048xf32, #tpu.memory_space<vmem>>) dst(%dma_wait3A_242 : memref<2048xf32, #tpu.memory_space<vmem_shared>>)
      tpu.yield
    }) : () -> ()
    %barrier3A = arith.constant 0 : index
    tpu.barrier barrier_id(%barrier3A)
    %mul3A_201 = arith.constant 512 : i32
    %mul3A_202 = arith.muli %select_n3A_70, %mul3A_201 : i32
    %jit3A_203 = arith.constant 4 : i32
    %div3A_204 = arith.divsi %arg1, %jit3A_203 : i32
    %sign3A_205 = arith.constant 0 : i32
    %sign3A_206 = arith.cmpi sgt, %arg1, %sign3A_205 : i32
    %sign3A_207 = arith.extui %sign3A_206 : i1 to i32
    %sign3A_208 = arith.constant 0 : i32
    %sign3A_209 = arith.cmpi slt, %arg1, %sign3A_208 : i32
    %sign3A_210 = arith.extui %sign3A_209 : i1 to i32
    %sign3A_211 = arith.subi %sign3A_207, %sign3A_210 : i32
    %sign3A_212 = arith.constant 0 : i32
    %sign3A_213 = arith.cmpi sgt, %jit3A_203, %sign3A_212 : i32
    %sign3A_214 = arith.extui %sign3A_213 : i1 to i32
    %sign3A_215 = arith.constant 0 : i32
    %sign3A_216 = arith.cmpi slt, %jit3A_203, %sign3A_215 : i32
    %sign3A_217 = arith.extui %sign3A_216 : i1 to i32
    %sign3A_218 = arith.subi %sign3A_214, %sign3A_217 : i32
    %ne3A_219 = arith.cmpi ne, %sign3A_211, %sign3A_218 : i32
    %rem3A_220 = arith.remsi %arg1, %jit3A_203 : i32
    %ne3A_221 = arith.constant 0 : i32
    %ne3A_222 = arith.cmpi ne, %rem3A_220, %ne3A_221 : i32
    %and3A_223 = arith.andi %ne3A_219, %ne3A_222 : i1
    %sub3A_224 = arith.constant 1 : i32
    %sub3A_225 = arith.subi %div3A_204, %sub3A_224 : i32
    %select_n3A_226 = arith.select %and3A_223, %sub3A_225, %div3A_204 : i32
    "tpu.region"() ({
      %run_scoped3A = tpu.sem_alloc : memref<!tpu.dma_semaphore, #tpu.memory_space<semaphore_mem>>
      %dma_start3A_231 = arith.constant 0 : i32
      %dma_start3A_232 = tpu.memref_slice %arg14[%select_n3A_226, %dma_start3A_231, %mul3A_202] : memref<4x4x2048xf32, #tpu.memory_space<vmem_shared>> -> memref<1x4x512xf32, #tpu.memory_space<vmem_shared>>
      %dma_start3A_233 = tpu.memref_squeeze %dma_start3A_232 : memref<1x4x512xf32, #tpu.memory_space<vmem_shared>> -> memref<4x512xf32, #tpu.memory_space<vmem_shared>>
      %dma_start3A_234 = arith.constant 0 : i32
      %dma_start3A_235 = tpu.memref_slice %arg14[%select_n3A_226, %dma_start3A_234, %mul3A_202] : memref<4x4x2048xf32, #tpu.memory_space<vmem_shared>> -> memref<1x4x512xf32, #tpu.memory_space<vmem_shared>>
      %dma_start3A_236 = tpu.memref_squeeze %dma_start3A_235 : memref<1x4x512xf32, #tpu.memory_space<vmem_shared>> -> memref<4x512xf32, #tpu.memory_space<vmem_shared>>
      tpu.enqueue_dma source(%dma_start3A_236 : memref<4x512xf32, #tpu.memory_space<vmem_shared>>) target(%arg13 : memref<4x512xf32, #tpu.memory_space<vmem>>) target_semaphore(%run_scoped3A : memref<!tpu.dma_semaphore, #tpu.memory_space<semaphore_mem>>)
      %dma_wait3A_237 = arith.constant 0 : i32
      %dma_wait3A_238 = tpu.memref_slice %arg14[%select_n3A_226, %dma_wait3A_237, %mul3A_202] : memref<4x4x2048xf32, #tpu.memory_space<vmem_shared>> -> memref<1x4x512xf32, #tpu.memory_space<vmem_shared>>
      %dma_wait3A_239 = tpu.memref_squeeze %dma_wait3A_238 : memref<1x4x512xf32, #tpu.memory_space<vmem_shared>> -> memref<4x512xf32, #tpu.memory_space<vmem_shared>>
      %dma_wait3A_240 = arith.constant 0 : i32
      %dma_wait3A_241 = tpu.memref_slice %arg14[%select_n3A_226, %dma_wait3A_240, %mul3A_202] : memref<4x4x2048xf32, #tpu.memory_space<vmem_shared>> -> memref<1x4x512xf32, #tpu.memory_space<vmem_shared>>
      %dma_wait3A_242 = tpu.memref_squeeze %dma_wait3A_241 : memref<1x4x512xf32, #tpu.memory_space<vmem_shared>> -> memref<4x512xf32, #tpu.memory_space<vmem_shared>>
      tpu.wait_dma2 semaphore(%run_scoped3A : memref<!tpu.dma_semaphore, #tpu.memory_space<semaphore_mem>>) src(%dma_wait3A_242 : memref<4x512xf32, #tpu.memory_space<vmem_shared>>) dst(%arg13 : memref<4x512xf32, #tpu.memory_space<vmem>>)
      tpu.yield
    }) : () -> ()
    %parallel_loop3A_227 = arith.constant 0 : i32
    %parallel_loop3A_228 = arith.constant 32 : i32
    %parallel_loop3A_229 = arith.constant 1 : i32
    scf.for %parallel_loop3A_231 = %parallel_loop3A_227 to %parallel_loop3A_228 step %parallel_loop3A_229  : i32 {
      %parallel_loop3A_232 = arith.constant 16 : i32
      %parallel_loop3A_233 = arith.muli %parallel_loop3A_231, %parallel_loop3A_232 : i32
      %parallel_loop3A_234 = arith.constant 3 : i32
      %parallel_loop3A_235 = arith.index_cast %parallel_loop3A_234 : i32 to index
      %parallel_loop3A_236 = arith.index_cast %parallel_loop3A_233 : i32 to index
      %parallel_loop3A_237 = tpu.vector_load %arg13[%parallel_loop3A_235, %parallel_loop3A_236] {strides = array<i32>} : memref<4x512xf32, #tpu.memory_space<vmem>>, vector<16xf32>,
      %parallel_loop3A_238 = arith.constant 1.600000e+01 : f32
      %parallel_loop3A_239 = vector.broadcast %parallel_loop3A_238 : f32 to vector<16xf32>
      %parallel_loop3A_240 = arith.mulf %parallel_loop3A_237, %parallel_loop3A_239 : vector<16xf32>
      %parallel_loop3A_241 = arith.constant 2 : i32
      %parallel_loop3A_242 = arith.index_cast %parallel_loop3A_241 : i32 to index
      %parallel_loop3A_243 = arith.index_cast %parallel_loop3A_233 : i32 to index
      %parallel_loop3A_244 = tpu.vector_load %arg13[%parallel_loop3A_242, %parallel_loop3A_243] {strides = array<i32>} : memref<4x512xf32, #tpu.memory_space<vmem>>, vector<16xf32>,
      %parallel_loop3A_245 = arith.addf %parallel_loop3A_240, %parallel_loop3A_244 : vector<16xf32>
      %parallel_loop3A_246 = arith.constant 1.600000e+01 : f32
      %parallel_loop3A_247 = vector.broadcast %parallel_loop3A_246 : f32 to vector<16xf32>
      %parallel_loop3A_248 = arith.mulf %parallel_loop3A_245, %parallel_loop3A_247 : vector<16xf32>
      %parallel_loop3A_249 = arith.constant 1 : i32
      %parallel_loop3A_250 = arith.index_cast %parallel_loop3A_249 : i32 to index
      %parallel_loop3A_251 = arith.index_cast %parallel_loop3A_233 : i32 to index
      %parallel_loop3A_252 = tpu.vector_load %arg13[%parallel_loop3A_250, %parallel_loop3A_251] {strides = array<i32>} : memref<4x512xf32, #tpu.memory_space<vmem>>, vector<16xf32>,
      %parallel_loop3A_253 = arith.addf %parallel_loop3A_248, %parallel_loop3A_252 : vector<16xf32>
      %parallel_loop3A_254 = arith.constant 1.600000e+01 : f32
      %parallel_loop3A_255 = vector.broadcast %parallel_loop3A_254 : f32 to vector<16xf32>
      %parallel_loop3A_256 = arith.mulf %parallel_loop3A_253, %parallel_loop3A_255 : vector<16xf32>
      %parallel_loop3A_257 = arith.constant 0 : i32
      %parallel_loop3A_258 = arith.index_cast %parallel_loop3A_257 : i32 to index
      %parallel_loop3A_259 = arith.index_cast %parallel_loop3A_233 : i32 to index
      %parallel_loop3A_260 = tpu.vector_load %arg13[%parallel_loop3A_258, %parallel_loop3A_259] {strides = array<i32>} : memref<4x512xf32, #tpu.memory_space<vmem>>, vector<16xf32>,
      %parallel_loop3A_261 = arith.addf %parallel_loop3A_256, %parallel_loop3A_260 : vector<16xf32>
      %parallel_loop3A_262 = arith.constant 2.64289974E-5 : f32
      %parallel_loop3A_263 = vector.broadcast %parallel_loop3A_262 : f32 to vector<16xf32>
      %parallel_loop3A_264 = arith.mulf %parallel_loop3A_261, %parallel_loop3A_263 : vector<16xf32>
      %parallel_loop3A_265 = arith.index_cast %parallel_loop3A_233 : i32 to index
      %parallel_loop3A_266 = tpu.vector_load %arg12[%parallel_loop3A_265] {strides = array<i32>} : memref<2048xf32, #tpu.memory_space<vmem>>, vector<16xf32>,
      tpu.vector_store %arg12[%parallel_loop3A_265], %parallel_loop3A_264 {strides = array<i32>} : memref<2048xf32, #tpu.memory_space<vmem>>, vector<16xf32>,
    } {sc.loop_unroll_factor = 4 : i64, sc.parallel_access}
    %add3A_230 = arith.addi %mul3A_72, %mul3A_202 : i32
    "tpu.region"() ({
      %run_scoped3A = tpu.sem_alloc : memref<!tpu.dma_semaphore, #tpu.memory_space<semaphore_mem>>
      %dma_start3A_231 = arith.constant 0 : i32
      %dma_start3A_232 = tpu.memref_slice %arg12[%dma_start3A_231] : memref<2048xf32, #tpu.memory_space<vmem>> -> memref<512xf32, #tpu.memory_space<vmem>>
      %dma_start3A_233 = tpu.memref_slice %arg5[%add3A, %add3A_230] : memref<4x4096xf32, #tpu.memory_space<hbm>> -> memref<1x512xf32, #tpu.memory_space<hbm>>
      %dma_start3A_234 = tpu.memref_squeeze %dma_start3A_233 : memref<1x512xf32, #tpu.memory_space<hbm>> -> memref<512xf32, #tpu.memory_space<hbm>>
      %dma_start3A_235 = tpu.memref_slice %arg5[%add3A, %add3A_230] : memref<4x4096xf32, #tpu.memory_space<hbm>> -> memref<1x512xf32, #tpu.memory_space<hbm>>
      %dma_start3A_236 = tpu.memref_squeeze %dma_start3A_235 : memref<1x512xf32, #tpu.memory_space<hbm>> -> memref<512xf32, #tpu.memory_space<hbm>>
      %dma_start3A_237 = arith.constant 0 : i32
      %dma_start3A_238 = tpu.memref_slice %arg12[%dma_start3A_237] : memref<2048xf32, #tpu.memory_space<vmem>> -> memref<512xf32, #tpu.memory_space<vmem>>
      tpu.enqueue_dma source(%dma_start3A_238 : memref<512xf32, #tpu.memory_space<vmem>>) target(%dma_start3A_236 : memref<512xf32, #tpu.memory_space<hbm>>) target_semaphore(%run_scoped3A : memref<!tpu.dma_semaphore, #tpu.memory_space<semaphore_mem>>)
      %dma_wait3A_239 = arith.constant 0 : i32
      %dma_wait3A_240 = tpu.memref_slice %arg12[%dma_wait3A_239] : memref<2048xf32, #tpu.memory_space<vmem>> -> memref<512xf32, #tpu.memory_space<vmem>>
      %dma_wait3A_241 = tpu.memref_slice %arg5[%add3A, %add3A_230] : memref<4x4096xf32, #tpu.memory_space<hbm>> -> memref<1x512xf32, #tpu.memory_space<hbm>>
      %dma_wait3A_242 = tpu.memref_squeeze %dma_wait3A_241 : memref<1x512xf32, #tpu.memory_space<hbm>> -> memref<512xf32, #tpu.memory_space<hbm>>
      %dma_wait3A_243 = tpu.memref_slice %arg5[%add3A, %add3A_230] : memref<4x4096xf32, #tpu.memory_space<hbm>> -> memref<1x512xf32, #tpu.memory_space<hbm>>
      %dma_wait3A_244 = tpu.memref_squeeze %dma_wait3A_243 : memref<1x512xf32, #tpu.memory_space<hbm>> -> memref<512xf32, #tpu.memory_space<hbm>>
      %dma_wait3A_245 = arith.constant 0 : i32
      %dma_wait3A_246 = tpu.memref_slice %arg12[%dma_wait3A_245] : memref<2048xf32, #tpu.memory_space<vmem>> -> memref<512xf32, #tpu.memory_space<vmem>>
      tpu.wait_dma2 semaphore(%run_scoped3A : memref<!tpu.dma_semaphore, #tpu.memory_space<semaphore_mem>>) src(%dma_wait3A_246 : memref<512xf32, #tpu.memory_space<vmem>>) dst(%dma_wait3A_244 : memref<512xf32, #tpu.memory_space<hbm>>)
      tpu.yield
    }) : () -> ()
    return
  }
}

</mosaic_0001>

<sc_bundles>
// kernel: kernel.3.cloned.1.call-start
scs
__scs_entry_jumppad:
0x0: {  	(pc) =	sbr.rel $0x88, $3  }
0x1: {  	(tag) =	ssettag $0x0;
	lr =	simm.s32 $0x1  }
0x2: {  	[smem:$0x3F9E] =	sst lr;
	_ =	strace $0xD0000000  }
0x3: {  	_ = 	snop  }
0x4: {  	_ = 	snop  }
0x5: {  	_ = 	snop  }
0x6: {  	_ = 	snop  }
0x7: {  	_ = 	snop  }
__scs_overlays_trampoline_lowered:
0x8: {  	[smem:$0x3FAD] =	sst s0  }
0x9: {  	[smem:$0x3FAE] =	sst s1  }
0xa: {  	[smem:$0x3FAF] =	sst s2  }
0xb: {  	[smem:$0x3FB0] =	sst s3  }
0xc: {  	[smem:$0x3FB1] =	sst s4  }
0xd: {  	[smem:$0x3FB2] =	sst s5  }
0xe: {  	[smem:$0x3FB3] =	sst s6  }
0xf: {  	[smem:$0x3FB4] =	sst s7  }
0x10: {  	[smem:$0x3FB5] =	sst s8  }
0x11: {  	[smem:$0x3FB6] =	sst s9;
	s0 =	simm.s32 @!p0 $0x0  }
0x12: {  	s1 =	sld [smem:$0x3F9C];
	s0 =	simm.s32 @p0 $0x1  }
0x13: {  	[smem:$0x3FB7] =	sst s0;
	s0 =	simm.s32 @!p1 $0x0  }
0x14: {  	s2 =	sld [smem:$0x3F9B];
	s0 =	simm.s32 @p1 $0x1  }
0x15: {  	[smem:$0x3FB8] =	sst s0;
	s0 =	simm.s32 @!p2 $0x0  }
0x16: {  	s3 =	sld [smem:$0x3FDB];
	s0 =	simm.s32 @p2 $0x1  }
0x17: {  	s4 =	simm.s32 $0x1BF5;
	[smem:$0x3FBA] =	sst s0  }
0x18: {  	s0 =	sld [smem:$0x3F9D];
	_ =	swait.ge [sflag:s4], $0x0  }
0x19: {  	s7 =	sld [smem:$0x3F9E]  }
0x1a: {  	s8 =	sadd.s32 $0xFFFFE003, lr  }
0x1b: {  	s9 =	sadd.s32 $0xFFFFFEF7, lr;
	s5 =	simm.s32 $0xFFFFFFFF;
	p2 =	slt.u32 s8, $0xFFFFF086  }
0x1c: {  	p1 =	slt.u32 s9, $0xF7A;
	s5 =	simm.s32 @!p2 $0x0  }
0x1d: {  	s5 =	simm.s32 @p1 $0x1;
	p0 =	seq.s32 s7, s2  }
0x1e: {  	s7 =	smul.u32 @!p0 $0xF7A, s2;
	p2 =	seq.s32 @!p0 s5, $0x0  }
0x1f: {  	s9 =	smul.u32 $0xF7A, s1;
	s8 =	simm.s32 @!p0 $0x1BF5;
	p2 =	por !p2, p0  }
0x20: {  	[sflag:s8] =	ssyncset.s32 @!p0 $0xFFFFF086;
	s6 =	sadd.s32 @!p0 s3, s7;
	s7 =	simm.s32 @!p0 $0x108  }
0x21: {  	s3 =	sadd.s32 s3, s9;
	s6 =	sadd.s32 @!p0 $0x88, s6;
	s7 =	simm.s32 @p2 $0x1082  }
0x22: {  	[simem:s7], [sflag:s8] =	dma.local @!p0 [hbm:s6], $0xF7A  }
0x23: {  	s9 =	sor.u32 $0xD0000000, s2;
	s6 =	simm.s32 $0x108;
	_ =	swait.ge @!p0 [sflag:s8], $0x0  }
0x24: {  	s3 =	sadd.s32 $0x88, s3;
	s6 =	simm.s32 @!p1 $0x1082;
	[sflag:s4] =	ssyncset.s32 $0xFFFFF086  }
0x25: {  	[simem:s6], [sflag:s4] =	dma.local [hbm:s3], $0xF7A  }
0x26: {  	[smem:$0x3F9E] =	sst s1;
	(tag) =	ssettag s2;
	_ =	strace s9  }
0x27: {  	s1 =	sld [smem:$0x3FAE]  }
0x28: {  	s2 =	sld [smem:$0x3FAF]  }
0x29: {  	s4 =	sld [smem:$0x3FB1]  }
0x2a: {  	p0 =	seq.s32 s5, $0x0;
	s5 =	sld [smem:$0x3FB2]  }
0x2b: {  	s6 =	sld [smem:$0x3FB3]  }
0x2c: {  	s7 =	sld [smem:$0x3FB4]  }
0x2d: {  	s3 =	simm.s32 $0x108;
	s8 =	sld [smem:$0x3FB5]  }
0x2e: {  	s3 =	simm.s32 @!p0 $0x1082;
	s9 =	sld [smem:$0x3FB6]  }
0x2f: {  	lr =	sadd.s32 s0, s3;
	s0 =	sld [smem:$0x3FAD]  }
0x30: {  	s3 =	sld [smem:$0x3FB0]  }
0x31: {  	[smem:$0x3FB9] =	sst s10  }
0x32: {  	s10 =	sld [smem:$0x3FB7];
	_ =	sdelay $0x3  }
0x33: {  	p0 =	seq.s32 s10, $0x1;
	s10 =	sld [smem:$0x3FB9];
	_ =	sdelay $0x3  }
0x34: {  	[smem:$0x3FB9] =	sst s10  }
0x35: {  	s10 =	sld [smem:$0x3FB8];
	_ =	sdelay $0x3  }
0x36: {  	p1 =	seq.s32 s10, $0x1;
	s10 =	sld [smem:$0x3FB9];
	_ =	sdelay $0x3  }
0x37: {  	[smem:$0x3FB9] =	sst s10  }
0x38: {  	s10 =	sld [smem:$0x3FBA]  }
0x39: {  	_ = 	snop;
	(pc) =	sbr.ind lr, $3  }
0x3a: {  	_ = 	snop  }
0x3b: {  	_ = 	snop  }
0x3c: {  	p2 =	seq.s32 s10, $0x1;
	s10 =	sld [smem:$0x3FB9]  }
0x3d: {  	_ =	shalt  }
0x3e: {  	_ =	shalt  }
0x3f: {  	_ =	shalt  }
0x40: {  	_ =	shalt  }
0x41: {  	_ =	shalt  }
0x42: {  	_ =	shalt  }
0x43: {  	_ =	shalt  }
0x44: {  	_ =	shalt  }
0x45: {  	_ =	shalt  }
0x46: {  	_ =	shalt  }
0x47: {  	_ =	shalt  }
0x48: {  	_ =	shalt  }
0x49: {  	_ =	shalt  }
0x4a: {  	_ =	shalt  }
0x4b: {  	_ =	shalt  }
0x4c: {  	_ =	shalt  }
0x4d: {  	_ =	shalt  }
0x4e: {  	_ =	shalt  }
0x4f: {  	_ =	shalt  }
0x50: {  	_ =	shalt  }
0x51: {  	_ =	shalt  }
0x52: {  	_ =	shalt  }
0x53: {  	_ =	shalt  }
0x54: {  	_ =	shalt  }
0x55: {  	_ =	shalt  }
0x56: {  	_ =	shalt  }
0x57: {  	_ =	shalt  }
0x58: {  	_ =	shalt  }
0x59: {  	_ =	shalt  }
0x5a: {  	_ =	shalt  }
0x5b: {  	_ =	shalt  }
0x5c: {  	_ =	shalt  }
0x5d: {  	_ =	shalt  }
0x5e: {  	_ =	shalt  }
0x5f: {  	_ =	shalt  }
0x60: {  	_ =	shalt  }
0x61: {  	_ =	shalt  }
0x62: {  	_ =	shalt  }
0x63: {  	_ =	shalt  }
0x64: {  	_ =	shalt  }
0x65: {  	_ =	shalt  }
0x66: {  	_ =	shalt  }
0x67: {  	_ =	shalt  }
0x68: {  	_ =	shalt  }
0x69: {  	_ =	shalt  }
0x6a: {  	_ =	shalt  }
0x6b: {  	_ =	shalt  }
0x6c: {  	_ =	shalt  }
0x6d: {  	_ =	shalt  }
0x6e: {  	_ =	shalt  }
0x6f: {  	_ =	shalt  }
0x70: {  	_ =	shalt  }
0x71: {  	_ =	shalt  }
0x72: {  	_ =	shalt  }
0x73: {  	_ =	shalt  }
0x74: {  	_ =	shalt  }
0x75: {  	_ =	shalt  }
0x76: {  	_ =	shalt  }
0x77: {  	_ =	shalt  }
0x78: {  	_ =	shalt  }
0x79: {  	_ =	shalt  }
0x7a: {  	_ =	shalt  }
0x7b: {  	_ =	shalt  }
0x7c: {  	_ =	shalt  }
0x7d: {  	_ =	shalt  }
0x7e: {  	_ =	shalt  }
0x7f: {  	_ =	shalt  }
0x80: {  	_ =	shalt  }
0x81: {  	_ =	shalt  }
0x82: {  	_ =	shalt  }
0x83: {  	_ =	shalt  }
0x84: {  	_ =	shalt  }
0x85: {  	_ =	shalt  }
0x86: {  	_ =	shalt  }
0x87: {  	_ =	shalt  }
.Lfunc_end0:
.L_simem_size_0:
called_computation_lowered:
.L_overlay_start_0:
0x88: {  	s2 =	sld [smem:$0x3FD9]  }
0x89: {  	s3 =	sld [smem:$0x3FFE];
	_ =	sdelay $0x1  }
0x8a: {  	s1 =	srdreg.scid  }
0x8b: {  	s0 =	sand.u32 $0x1, s1  }
0x8c: {  	s18 =	sshll.u32 s0, $0xA;
	s2 =	sadd.s32 s3, s2  }
0x8d: {  	s2 =	sadd.s32 s2, s18  }
0x8e: {  	[smem:$0x3FC5] =	sst s2  }
0x8f: {  	_ = 	snop  }
0x90: {  	s2 =	sld [smem:$0x3FC9]  }
0x91: {  	s19 =	sld [smem:$0x3FC8]  }
0x92: {  	s4 =	sld [smem:$0x3FC7]  }
0x93: {  	s5 =	sld [smem:$0x3FD0];
	(tm) =	ssettm $0x1  }
0x94: {  	s6 =	sld [smem:$0x3FFB];
	_ =	sdelay $0x3  }
0x95: {  	_ =	strace s6  }
0x96: {  	s6 =	sld [smem:$0x3FFC];
	_ =	sdelay $0x3  }
0x97: {  	_ =	strace s6  }
0x98: {  	s6 =	sld [smem:$0x3FFD];
	_ =	sdelay $0x3  }
0x99: {  	_ =	strace s6  }
0x9a: {  	_ =	strace $0x8FFFFFFF  }
0x9b: {  	s20 =	sld [smem:$0x3FDB];
	_ =	sdelay $0x1  }
0x9c: {  	s7 =	simm.s32 $_scs_section_size  }
0x9d: {  	s8 =	simm.s32 $_size__tile_overlayer_lowered;
	s9 =	simm.s32 $_tile_overlayer_lowered  }
0x9e: {  	s23 =	simm.s32 $0x1BFF;
	s22 =	sshll.u32 s9, $0x1;
	s6 =	sadd.s32 s7, s20  }
0x9f: {  	s10 =	simm.s32 $0x0;
	s21 =	sshll.u32 s8, $0x1;
	s8 =	sadd.s32 s22, s6  }
0xa0: {  	[timem:s10], [sflag:s23] =	dma.local [hbm:s8], s21  }
0xa1: {  	_ =	swait.ge [sflag:s23], s21  }
0xa2: {  	s7 =	ssub.s32 $0x0, s21;
	[sflag:s23] =	ssyncset.done $0x0  }
0xa3: {  	[sflag:s23] =	ssyncadd.s32 s7;
	_ =	sdelay $0x1  }
0xa4: {  	s24 =	simm.s32 $0x1B8B  }
0xa5: {  	_ =	swait.ge [sflag:s24], $0x1  }
0xa6: {  	[sflag:s24] =	ssyncset.done $0x0  }
0xa7: {  	s25 =	simm.s32 $0x1B8E;
	[sflag:s24] =	ssyncadd.s32 $0xFFFFFFFF  }
0xa8: {  	s26 =	simm.s32 $execute0_lowered;
	[smem:$0x3FD2] =	sst s25  }
0xa9: {  	s7 =	sshll.u32 s26, $0x1;
	_ =	strace $0x80000046;
	[dreg:$0x1] =	wrdreg $0xFFFFFFFF  }
0xaa: {  	s28 =	simm.s32 $_size_execute0_lowered;
	s6 =	sadd.s32 s6, s7;
	[dreg:$0x0] =	wrdreg $0x0  }
0xab: {  	s7 =	sshll.u32 s28, $0x1;
	[dreg:$0x2] =	wrdreg s6  }
0xac: {  	[dreg:$0x3] =	wrdreg s7  }
0xad: {  	[dreg:$0x4] =	wrdreg $0xC0  }
0xae: {  	_ =	task [dreg:s10], $0x5FFFF  }
0xaf: {  	[dreg:$0x1] =	wrdreg $0xFFFFFFFF  }
0xb0: {  	[dreg:$0x0] =	wrdreg $0x60  }
0xb1: {  	[dreg:$0x2] =	wrdreg s2  }
0xb2: {  	[dreg:$0x3] =	wrdreg s19  }
0xb3: {  	[dreg:$0x4] =	wrdreg s4  }
0xb4: {  	[dreg:$0x5] =	wrdreg s5  }
0xb5: {  	[dreg:$0x6] =	wrdreg $0x60000  }
0xb6: {  	[dreg:$0x7] =	wrdreg $0x9  }
0xb7: {  	_ =	task.clear_ibuf [dreg:s10], $0x8FFFF;
	_ =	strace $0x90000046  }
0xb8: {  	s29 =	simm.s32 $0x9;
	_ =	strace $0x80000048  }
0xb9: {  	_ =	swait.ge [sflag:s29], $0x1  }
0xba: {  	[sflag:s29] =	ssyncadd.s32 $0xFFFFFFFF  }
0xbb: {  	_ =	strace $0x90000048  }
0xbc: {  	_ =	sfence  }
0xbd: {  	s30 =	sld [smem:$0x0];
	_ =	sdelay $0x2  }
0xbe: {  	s31 =	sshll.u32 s1, $0xD;
	s1 =	sshrl.u32 s1, $0x2  }
0xbf: {  	s3 =	sand.u32 $0x4000, s31;
	s1 =	sadd.s32 s1, s30  }
0xc0: {  	s0 =	sor.u32 s3, s0;
	s1 =	sshll.u32 s1, $0x11  }
0xc1: {  	s0 =	sor.u32 s1, s0  }
0xc2: {  	s0 =	sadd.s32 $0x8F2B, s0  }
0xc3: {  	[sflag:s0] =	ssyncadd.remote.s32 $0x1  }
0xc4: {  	_ =	sfence.sel $0xFFFF  }
0xc5: {  	[dreg:$0x0] =	wrdreg $0xFFFFFFFF;
	(pc) =	sbr.abs _section_cstart, $3  }
0xc6: {  	[dreg:$0x1] =	wrdreg $0xFFFFFFFF  }
0xc7: {  	_ =	task.clear_ibuf [dreg:s10], $0x2FFFF;
	_ =	strace $0x9FFFFFFF  }
0xc8: {  	(tm) =	ssettm $0x7FFFFFFF  }
0xc9: {  	_ =	shalt  }
tec
execute0_lowered:
.L_overlay_start_1:
0x0: {  	(tag) =	ssettag $0x1  }
0x1: {  	s1 =	rddreg [dreg:$0x0]  }
0x2: {  	s2 =	rddreg [dreg:$0x1]  }
0x3: {  	s3 =	rddreg [dreg:$0x2]  }
0x4: {  	s0 =	rddreg [dreg:$0x3]  }
0x5: {  	s4 =	srdreg.scid;
	s5 =	rddreg [dreg:$0x4]  }
0x6: {  	s7 =	simm.s32 $0x0;
	s14 =	stileid.u32;
	s29 =	simm.s32 $0x7  }
0x7: {  	s31 =	simm.s32 $0x0;
	s4 =	sand.u32 $0x1, s4;
	[smem:$0x7FF] =	sst s7  }
0x8: {  	s24 =	sshrl.u32 s14, $0x3;
	s8 =	sand.u32 $0x3, s14;
	s9 =	sshll.u32 s14, $0x9  }
0x9: {  	s10 =	sshll.u32 s14, $0xE;
	s6 =	ssub.s32 $0x2, s4;
	_ =	strace $0x80000047  }
0xa: {  	s4 =	sshll.u32 s4, $0x1;
	s11 =	sshll.u32 s8, $0x9;
	s25 =	sand.u32 $0x800, s9  }
0xb: {  	s30 =	sshll.u32 s8, $0x2;
	s8 =	sshll.u32 s8, $0xB;
	s23 =	sshrl.u32 s6, $0x1  }
0xc: {  	s4 =	sor.u32 s24, s4;
	s26 =	sor.u32 s10, s11;
	s28 =	sshrl.u32 s25, $0x3  }
0xd: {  	s15 =	sor.u32 $0x7F1, s30;
	s7 =	sshll.u32 s25, $0x2;
	s24 =	sshrl.u32 s11, $0x2  }
0xe: {  	s6 =	ssub.s32 s6, s23;
	s12 =	sshll.u32 s4, $0x17;
	s9 =	sand.u32 $0x8200, s26  }
0xf: {  	s2 =	sadd.s32 s2, s28;
	s3 =	sadd.s32 s3, s28;
	s16 =	sshll.u32 s15, $0xC  }
0x10: {  	s23 =	sshll.u32 s14, $0xB;
	s7 =	sor.u32 s8, s7;
	s4 =	sshll.u32 s4, $0x7  }
0x11: {  	s14 =	simm.s32 $0x80;
	[dreg:$0x6] =	wrdreg s2;
	s9 =	sor.u32 s12, s9  }
0x12: {  	[dreg:$0x7] =	wrdreg s3;
	s10 =	sand.u32 $0x7F8000, s16;
	s2 =	sor.u32 $0x7F3, s30  }
0x13: {  	s4 =	sor.u32 s4, s7;
	s16 =	simm.s32 $0x1000;
	s13 =	sshrl.u32 s9, $0x3  }
0x14: {  	s9 =	sshll.u32 s15, $0x7;
	s20 =	sshll.u32 s2, $0xC;
	s2 =	sshll.u32 s2, $0x7  }
0x15: {  	s26 =	sshrl.u32 s4, $0x3;
	s15 =	simm.s32 $0x400;
	s4 =	simm.s32 $0x5000  }
0x16: {  	s3 =	sadd.s32 s13, s1;
	s9 =	sand.u32 $0x280, s9;
	s13 =	sor.u32 $0x7F2, s30  }
0x17: {  	s21 =	sand.u32 $0x7F8000, s20;
	s2 =	sand.u32 $0x380, s2;
	s0 =	sadd.s32 s0, s26  }
0x18: {  	s30 =	smax.u32 s6, $0x1;
	s3 =	sadd.s32 $0xFE000, s3;
	s17 =	sor.u32 s10, s9  }
0x19: {  	s18 =	sshll.u32 s13, $0xC;
	s19 =	sshll.u32 s13, $0x7;
	[dreg:$0xe] =	wrdreg s0  }
0x1a: {  	s2 =	sor.u32 s21, s2;
	[dreg:$0xf] =	wrdreg s30;
	s21 =	simm.s32 $0x2  }
0x1b: {  	[dreg:$0x8] =	wrdreg s3;
	s9 =	sand.u32 $0x7F8000, s18;
	s10 =	sand.u32 $0x300, s19  }
0x1c: {  	s3 =	sor.u32 s12, s17;
	s2 =	sor.u32 s12, s2;
	s17 =	simm.s32 $0x2000  }
0x1d: {  	s18 =	simm.s32 $0x3000;
	s9 =	sor.u32 s9, s10;
	s3 =	sshrl.u32 s3, $0x3  }
0x1e: {  	s19 =	simm.s32 $0x4000;
	s9 =	sor.u32 s12, s9;
	s3 =	sadd.s32 s1, s3  }
0x1f: {  	s2 =	sshrl.u32 s2, $0x3;
	s9 =	sshrl.u32 s9, $0x3;
	[dreg:$0x9] =	wrdreg s3  }
0x20: {  	s3 =	sand.u32 $0x6000, s23;
	s23 =	simm.s32 $0x4;
	s22 =	sadd.s32 s1, s9  }
0x21: {  	s3 =	sadd.s32 s3, s5;
	s1 =	sadd.s32 s1, s2;
	[dreg:$0xa] =	wrdreg s22  }
0x22: {  	[dreg:$0xb] =	wrdreg s1;
	s25 =	sadd.s32 s24, s3;
	s28 =	sadd.s32 s8, s3  }
0x23: {  	s22 =	simm.s32 $0x3;
	s24 =	simm.s32 $0x5;
	[dreg:$0xc] =	wrdreg s25  }
0x24: {  	s3 =	simm.s32 $0x200;
	[dreg:$0xd] =	wrdreg s28;
	s25 =	simm.s32 $0x6  }
.LBB2_1:
0x25: {  	s0 =	simm.s32 $0x0;
	s1 =	rddreg [dreg:$0x6]  }
0x26: {  	[tilespmem:s0], [sflag:$0x1] =	stream.linear.gather [hbm4b:s1+s0], $0x800, $0x38;
	[tilespmem:$0x6800] =	vst v63  }
0x27: {  	s10 =	rddreg [dreg:$0x7];
	s2 =	simm.s32 $0x800  }
0x28: {  	[tilespmem:s2], [sflag:$0x2] =	stream.linear.gather [hbm4b:s10+s0], $0x800, $0x38;
	[tilespmem:$0x6800] =	vst v63  }
0x29: {  	s11 =	rddreg [dreg:$0x8]  }
0x2a: {  	[tilespmem:s16], [sflag:$0x3] =	stream.strided.gather [hbm4b:s11+s14], $0x1000, s15, s14, $0x38;
	[tilespmem:$0x6800] =	vst v63  }
0x2b: {  	s12 =	rddreg [dreg:$0x9]  }
0x2c: {  	[tilespmem:s17], [sflag:$0x4] =	stream.strided.gather [hbm4b:s12+s14], $0x1000, s15, s14, $0x38;
	[tilespmem:$0x6800] =	vst v63  }
0x2d: {  	s13 =	rddreg [dreg:$0xa]  }
0x2e: {  	[tilespmem:s18], [sflag:$0x5] =	stream.strided.gather [hbm4b:s13+s14], $0x1000, s15, s14, $0x38;
	[tilespmem:$0x6800] =	vst v63  }
0x2f: {  	s20 =	rddreg [dreg:$0xb];
	s26 =	simm.s32 $0x1  }
0x30: {  	[tilespmem:s19], [sflag:$0x6] =	stream.strided.gather [hbm4b:s20+s14], $0x1000, s15, s14, $0x38;
	[tilespmem:$0x6800] =	vst v63  }
0x31: {  	_ =	swait.ge [sflag:s26], $0x800  }
0x32: {  	[sflag:s26] =	ssyncset.done $0x0  }
0x33: {  	[sflag:s26] =	ssyncadd.s32 $0xFFFFF800  }
0x34: {  	_ =	swait.ge [sflag:s21], $0x800  }
0x35: {  	[sflag:s21] =	ssyncset.done $0x0  }
0x36: {  	[sflag:s21] =	ssyncadd.s32 $0xFFFFF800  }
0x37: {  	_ =	swait.ge [sflag:s22], $0x1000  }
0x38: {  	[sflag:s22] =	ssyncset.done $0x0  }
0x39: {  	[sflag:s22] =	ssyncadd.s32 $0xFFFFF000  }
0x3a: {  	_ =	swait.ge [sflag:s23], $0x1000  }
0x3b: {  	[sflag:s23] =	ssyncset.done $0x0  }
0x3c: {  	[sflag:s23] =	ssyncadd.s32 $0xFFFFF000  }
0x3d: {  	_ =	swait.ge [sflag:s24], $0x1000  }
0x3e: {  	[sflag:s24] =	ssyncset.done $0x0  }
0x3f: {  	[sflag:s24] =	ssyncadd.s32 $0xFFFFF000  }
0x40: {  	_ =	swait.ge [sflag:s25], $0x1000  }
0x41: {  	[sflag:s25] =	ssyncset.done $0x0  }
0x42: {  	s28 =	simm.s32 $0x20;
	[sflag:s25] =	ssyncadd.s32 $0xFFFFF000  }
0x43: {  	s0 =	simm.s32 $0x820;
	v0 =	vld [tilespmem:s28+$0x10]  }
0x44: {  	v1 =	vld [tilespmem:s0+$0x10]  }
0x45: {  	v2 =	vld [tilespmem:s0+$0xFFFFFFE0]  }
0x46: {  	v4 =	vld [tilespmem:s28+$0xFFFFFFF0]  }
0x47: {  	v5 =	vld [tilespmem:s0+$0xFFFFFFF0]  }
0x48: {  	v6 =	vld [tilespmem:s28+$0x0]  }
0x49: {  	v10 =	vld [tilespmem:s0+$0x0]  }
0x4a: {  	v3 =	vld [tilespmem:s28+$0xFFFFFFE0]  }
0x4b: {  	v7 =	vld.idx.msk [tilespmem:v0+s19+$0x0], $0xffff  }
0x4c: {  	v8 =	vld.idx.msk [tilespmem:v1+s19+$0x0], $0xffff  }
0x4d: {  	v9 =	vld.idx.msk [tilespmem:v0+s18+$0x0], $0xffff  }
0x4e: {  	v11 =	vld.idx.msk [tilespmem:v1+s18+$0x0], $0xffff  }
0x4f: {  	v12 =	vld.idx.msk [tilespmem:v2+s19+$0x0], $0xffff  }
0x50: {  	v13 =	vld.idx.msk [tilespmem:v4+s19+$0x0], $0xffff  }
0x51: {  	v14 =	vld.idx.msk [tilespmem:v0+s17+$0x0], $0xffff  }
0x52: {  	v15 =	vld.idx.msk [tilespmem:v1+s17+$0x0], $0xffff  }
0x53: {  	v16 =	vld.idx.msk [tilespmem:v3+s19+$0x0], $0xffff  }
0x54: {  	v17 =	vld.idx.msk [tilespmem:v5+s19+$0x0], $0xffff  }
0x55: {  	v0 =	vld.idx.msk [tilespmem:v0+s16+$0x0], $0xffff  }
0x56: {  	v1 =	vld.idx.msk [tilespmem:v1+s16+$0x0], $0xffff  }
0x57: {  	v18 =	vld.idx.msk [tilespmem:v6+s19+$0x0], $0xffff  }
0x58: {  	v19 =	vld.idx.msk [tilespmem:v10+s19+$0x0], $0xffff  }
0x59: {  	v20 =	vld.idx.msk [tilespmem:v3+s18+$0x0], $0xffff  }
0x5a: {  	v21 =	vld.idx.msk [tilespmem:v2+s18+$0x0], $0xffff  }
0x5b: {  	v22 =	vld.idx.msk [tilespmem:v5+s18+$0x0], $0xffff;
	v7 =	vmul.f32 v8, v7  }
0x5c: {  	v23 =	vld.idx.msk [tilespmem:v10+s18+$0x0], $0xffff  }
0x5d: {  	v58 =	vld.idx.msk [tilespmem:v2+s17+$0x0], $0xffff;
	v9 =	vmul.f32 v11, v9;
	v7 =	vadd.f32 v7, v7  }
0x5e: {  	v59 =	vld.idx.msk [tilespmem:v4+s17+$0x0], $0xffff  }
0x5f: {  	v8 =	vld.idx.msk [tilespmem:v4+s18+$0x0], $0xffff;
	v7 =	vadd.f32 v9, v7  }
0x60: {  	v11 =	vld.idx.msk [tilespmem:v6+s18+$0x0], $0xffff;
	v12 =	vmul.f32 v12, v16  }
0x61: {  	v14 =	vmul.f32 v15, v14;
	v9 =	vld.idx.msk [tilespmem:v3+s17+$0x0], $0xffff;
	v7 =	vadd.f32 v7, v7  }
0x62: {  	v61 =	vld.idx.msk [tilespmem:v5+s17+$0x0], $0xffff;
	v13 =	vmul.f32 v17, v13;
	v60 =	vmul.f32 v21, v20;
	v12 =	vadd.f32 v12, v12  }
0x63: {  	v62 =	vld.idx.msk [tilespmem:v6+s17+$0x0], $0xffff;
	v1 =	vmul.f32 v1, v0;
	v0 =	vmul.f32 v19, v18;
	v7 =	vadd.f32 v14, v7  }
0x64: {  	v63 =	vld.idx.msk [tilespmem:v10+s17+$0x0], $0xffff;
	v13 =	vadd.f32 v13, v13;
	v12 =	vadd.f32 v60, v12;
	v8 =	vmul.f32 v22, v8  }
0x65: {  	v18 =	vadd.f32 v0, v0;
	v0 =	vld.idx.msk [tilespmem:v3+s16+$0x0], $0xffff;
	v11 =	vmul.f32 v23, v11;
	v7 =	vadd.f32 v7, v7  }
0x66: {  	v3 =	vld.idx.msk [tilespmem:v2+s16+$0x0], $0xffff;
	v12 =	vadd.f32 v12, v12;
	v8 =	vadd.f32 v8, v13;
	v9 =	vmul.f32 v58, v9  }
0x67: {  	v2 =	vadd.f32 v1, v7;
	v7 =	vadd.f32 v11, v18;
	v1 =	vld.idx.msk [tilespmem:v4+s16+$0x0], $0xffff  }
0x68: {  	s2 =	simm.s32 $0x5020;
	v8 =	vadd.f32 v8, v8;
	v9 =	vadd.f32 v9, v12;
	v11 =	vmul.f32 v61, v59;
	v4 =	vld.idx.msk [tilespmem:v5+s16+$0x0], $0xffff  }
0x69: {  	v5 =	vld.idx.msk [tilespmem:v10+s16+$0x0], $0xffff;
	[tilespmem:s2+$0x10] =	vst v2;
	v7 =	vadd.f32 v7, v7  }
0x6a: {  	s30 =	simm.s32 $0x60;
	s13 =	simm.s32 $0x0;
	v2 =	vld.idx.msk [tilespmem:v6+s16+$0x0], $0xffff;
	v6 =	vadd.f32 v9, v9;
	v8 =	vadd.f32 v11, v8;
	v9 =	vmul.f32 v63, v62  }
.LBB2_2:
0x6b: {  	v10 =	vld [tilespmem:s30+$0x10];
	s0 =	sadd.s32 $0x40, s0  }
0x6c: {  	s13 =	sadd.s32 $0x4, s13;
	v0 =	vmul.f32 v3, v0;
	v11 =	vld [tilespmem:s0+$0x10];
	v3 =	vadd.f32 v8, v8;
	v7 =	vadd.f32 v9, v7  }
0x6d: {  	p0 =	slt.u32 s13, $0x7C;
	v8 =	vld [tilespmem:s0+$0xFFFFFFE0]  }
0x6e: {  	v0 =	vadd.f32 v0, v6;
	v1 =	vmul.f32 v4, v1;
	v9 =	vld [tilespmem:s30+$0xFFFFFFF0];
	v4 =	vadd.f32 v7, v7  }
0x6f: {  	v6 =	vld [tilespmem:s0+$0xFFFFFFF0]  }
0x70: {  	v12 =	vld [tilespmem:s30+$0x0];
	[tilespmem:s2+$0xFFFFFFE0] =	vst v0;
	v0 =	vadd.f32 v1, v3;
	v1 =	vmul.f32 v5, v2  }
0x71: {  	v5 =	vld [tilespmem:s0+$0x0]  }
0x72: {  	v2 =	vld [tilespmem:s30+$0xFFFFFFE0];
	[tilespmem:s2+$0xFFFFFFF0] =	vst v0;
	v0 =	vadd.f32 v1, v4  }
0x73: {  	v1 =	vld.idx.msk [tilespmem:v10+s19+$0x0], $0xffff  }
0x74: {  	v3 =	vld.idx.msk [tilespmem:v11+s19+$0x0], $0xffff;
	[tilespmem:s2+$0x0] =	vst v0  }
0x75: {  	v0 =	vld.idx.msk [tilespmem:v10+s18+$0x0], $0xffff  }
0x76: {  	v4 =	vld.idx.msk [tilespmem:v11+s18+$0x0], $0xffff  }
0x77: {  	v7 =	vld.idx.msk [tilespmem:v8+s19+$0x0], $0xffff  }
0x78: {  	v13 =	vld.idx.msk [tilespmem:v9+s19+$0x0], $0xffff  }
0x79: {  	v14 =	vld.idx.msk [tilespmem:v10+s17+$0x0], $0xffff  }
0x7a: {  	v1 =	vmul.f32 v3, v1;
	v3 =	vld.idx.msk [tilespmem:v11+s17+$0x0], $0xffff  }
0x7b: {  	v15 =	vld.idx.msk [tilespmem:v2+s19+$0x0], $0xffff  }
0x7c: {  	v1 =	vadd.f32 v1, v1;
	v0 =	vmul.f32 v4, v0;
	v16 =	vld.idx.msk [tilespmem:v6+s19+$0x0], $0xffff  }
0x7d: {  	v4 =	vld.idx.msk [tilespmem:v10+s16+$0x0], $0xffff  }
0x7e: {  	v0 =	vadd.f32 v0, v1;
	v1 =	vld.idx.msk [tilespmem:v11+s16+$0x0], $0xffff  }
0x7f: {  	v10 =	vld.idx.msk [tilespmem:v12+s19+$0x0], $0xffff  }
0x80: {  	v0 =	vadd.f32 v0, v0;
	v3 =	vmul.f32 v3, v14;
	v11 =	vld.idx.msk [tilespmem:v5+s19+$0x0], $0xffff  }
0x81: {  	v7 =	vmul.f32 v7, v15;
	v14 =	vld.idx.msk [tilespmem:v2+s18+$0x0], $0xffff  }
0x82: {  	v13 =	vmul.f32 v16, v13;
	v0 =	vadd.f32 v3, v0;
	v15 =	vld.idx.msk [tilespmem:v8+s18+$0x0], $0xffff  }
0x83: {  	v3 =	vadd.f32 v7, v7;
	v7 =	vld.idx.msk [tilespmem:v9+s18+$0x0], $0xffff  }
0x84: {  	v13 =	vadd.f32 v13, v13;
	v0 =	vadd.f32 v0, v0;
	v1 =	vmul.f32 v1, v4;
	v16 =	vld.idx.msk [tilespmem:v6+s18+$0x0], $0xffff  }
0x85: {  	v4 =	vld.idx.msk [tilespmem:v12+s18+$0x0], $0xffff  }
0x86: {  	v10 =	vmul.f32 v11, v10;
	v0 =	vadd.f32 v1, v0;
	v11 =	vld.idx.msk [tilespmem:v5+s18+$0x0], $0xffff  }
0x87: {  	s2 =	sadd.s32 $0x40, s2;
	v1 =	vld.idx.msk [tilespmem:v2+s17+$0x0], $0xffff  }
0x88: {  	v14 =	vmul.f32 v15, v14;
	v10 =	vadd.f32 v10, v10;
	v15 =	vld.idx.msk [tilespmem:v8+s17+$0x0], $0xffff;
	[tilespmem:s2+$0x10] =	vst v0  }
0x89: {  	v17 =	vld.idx.msk [tilespmem:v9+s17+$0x0], $0xffff  }
0x8a: {  	v0 =	vadd.f32 v14, v3;
	v3 =	vmul.f32 v16, v7;
	v7 =	vld.idx.msk [tilespmem:v6+s17+$0x0], $0xffff  }
0x8b: {  	v14 =	vld.idx.msk [tilespmem:v12+s17+$0x0], $0xffff  }
0x8c: {  	v16 =	vadd.f32 v0, v0;
	v13 =	vadd.f32 v3, v13;
	v4 =	vmul.f32 v11, v4;
	v11 =	vld.idx.msk [tilespmem:v5+s17+$0x0], $0xffff  }
0x8d: {  	v0 =	vld.idx.msk [tilespmem:v2+s16+$0x0], $0xffff  }
.Ltmp0:
0x8e: {  	v2 =	vmul.f32 v15, v1;
	v10 =	vadd.f32 v4, v10;
	v3 =	vld.idx.msk [tilespmem:v8+s16+$0x0], $0xffff;
	v8 =	vadd.f32 v13, v13;
	(pc) =	sbr.rel @p0 .LBB2_2-.Ltmp0, $4  }
0x8f: {  	v1 =	vld.idx.msk [tilespmem:v9+s16+$0x0], $0xffff  }
0x90: {  	v9 =	vadd.f32 v2, v16;
	v13 =	vmul.f32 v7, v17;
	v7 =	vadd.f32 v10, v10;
	v4 =	vld.idx.msk [tilespmem:v6+s16+$0x0], $0xffff  }
0x91: {  	v2 =	vld.idx.msk [tilespmem:v12+s16+$0x0], $0xffff  }
0x92: {  	s30 =	sadd.s32 $0x40, s30;
	v6 =	vadd.f32 v9, v9;
	v8 =	vadd.f32 v13, v8;
	v9 =	vmul.f32 v11, v14;
	v5 =	vld.idx.msk [tilespmem:v5+s16+$0x0], $0xffff  }
0x93: {  	_ =	sdelay $0x1  }
0x94: {  	v0 =	vmul.f32 v3, v0;
	v3 =	vadd.f32 v9, v7  }
0x95: {  	v7 =	vadd.f32 v8, v8;
	v1 =	vmul.f32 v4, v1  }
0x96: {  	v0 =	vadd.f32 v0, v6;
	v3 =	vadd.f32 v3, v3;
	v2 =	vmul.f32 v5, v2  }
0x97: {  	v1 =	vadd.f32 v1, v7  }
0x98: {  	[tilespmem:s2+$0xFFFFFFE0] =	vst v0;
	v0 =	vadd.f32 v2, v3  }
0x99: {  	[tilespmem:s2+$0xFFFFFFF0] =	vst v1  }
0x9a: {  	[tilespmem:s2+$0x0] =	vst v0  }
0x9b: {  	s0 =	rddreg [dreg:$0xc]  }
0x9c: {  	[spmem:s0] =	stream.strided.scatter [tilespmem:s4], [sflag:$0x7], $0x800, s3, s14, $0x38;
	[tilespmem:$0x6800] =	vst v63  }
0x9d: {  	_ =	swait.ge [sflag:s29], $0x800  }
0x9e: {  	[sflag:s29] =	ssyncset.done $0x0  }
0x9f: {  	[sflag:s29] =	ssyncadd.s32 $0xFFFFF800  }
0xa0: {  	[bflag:$0x0] =	sbarrier.arrive $0xFFFF  }
0xa1: {  	s1 =	simm.s32 $0x5800;
	s13 =	rddreg [dreg:$0xd]  }
0xa2: {  	[tilespmem:s1], [sflag:$0x7] =	stream.linear.gather [spmem:s13], $0x800, $0x38;
	[tilespmem:$0x6800] =	vst v63  }
0xa3: {  	s1 =	simm.s32 $0x0  }
0xa4: {  	_ =	swait.ge [sflag:s29], $0x800;
	s20 =	sand.u32 $0x40, s1;
	s26 =	sand.u32 $0x600, s1  }
0xa5: {  	[sflag:s29] =	ssyncset.done $0x0;
	s28 =	sor.u32 $0x5800, s26;
	s0 =	sor.u32 $0x30, s20  }
0xa6: {  	[sflag:s29] =	ssyncadd.s32 $0xFFFFF800;
	s6 =	sor.u32 s0, s28  }
0xa7: {  	s5 =	sor.u32 s20, s28;
	v0 =	vld [tilespmem:s6+$0x180]  }
0xa8: {  	s13 =	sor.u32 $0x10, s20;
	v1 =	vld [tilespmem:s5+$0x180]  }
0xa9: {  	s2 =	sor.u32 $0x20, s20;
	s3 =	sor.u32 s13, s28;
	v2 =	vld [tilespmem:s6+$0x100]  }
0xaa: {  	s4 =	sor.u32 s2, s28;
	v5 =	vld [tilespmem:s3+$0x180]  }
0xab: {  	v6 =	vld [tilespmem:s4+$0x180]  }
0xac: {  	v7 =	vld [tilespmem:s5+$0x100];
	v0 =	vmul.f32 $1.600000000e+01, v0  }
0xad: {  	v8 =	vld [tilespmem:s6+$0x80]  }
0xae: {  	v9 =	vld [tilespmem:s3+$0x100];
	v0 =	vadd.f32 v2, v0  }
0xaf: {  	v4 =	vld [tilespmem:s4+$0x100];
	v1 =	vmul.f32 $1.600000000e+01, v1  }
0xb0: {  	v3 =	vld [tilespmem:s5+$0x80];
	v10 =	vmul.f32 $1.600000000e+01, v0  }
0xb1: {  	v2 =	vmul.f32 $1.600000000e+01, v5;
	v7 =	vadd.f32 v7, v1;
	v0 =	vld [tilespmem:s6+$0x0]  }
0xb2: {  	s30 =	simm.s32 $0x0;
	v5 =	vmul.f32 $1.600000000e+01, v6;
	v1 =	vld [tilespmem:s3+$0x80];
	v6 =	vadd.f32 v10, v8  }
0xb3: {  	s7 =	simm.s32 $0x100;
	s8 =	simm.s32 $0x40;
	s6 =	simm.s32 $0x0;
	v7 =	vmul.f32 $1.600000000e+01, v7;
	v8 =	vadd.f32 v9, v2;
	v2 =	vld [tilespmem:s4+$0x80]  }
.LBB2_4:
0xb4: {  	s9 =	sand.u32 $0x40, s8;
	s10 =	sand.u32 $0x600, s7;
	s6 =	sadd.s32 $0x4, s6;
	v9 =	vld [tilespmem:s5+$0x0];
	v4 =	vadd.f32 v4, v5;
	v5 =	vmul.f32 $1.600000000e+01, v6  }
0xb5: {  	s10 =	sor.u32 $0x5800, s10;
	s11 =	sor.u32 $0x30, s9;
	p0 =	slt.u32 s6, $0x1C;
	v3 =	vadd.f32 v7, v3;
	v6 =	vmul.f32 $1.600000000e+01, v8;
	v7 =	vld [tilespmem:s3+$0x0]  }
0xb6: {  	s12 =	sor.u32 $0x10, s9;
	s26 =	sor.u32 $0x20, s9;
	s28 =	sor.u32 s11, s10;
	v4 =	vmul.f32 $1.600000000e+01, v4;
	v8 =	vld [tilespmem:s4+$0x0];
	v0 =	vadd.f32 v5, v0  }
0xb7: {  	s1 =	sand.u32 $0x180, s1;
	s5 =	sor.u32 s9, s10;
	s3 =	sor.u32 s12, s10;
	v5 =	vld [tilespmem:s28+$0x180];
	v3 =	vmul.f32 $1.600000000e+01, v3;
	v1 =	vadd.f32 v6, v1  }
0xb8: {  	s1 =	sor.u32 $0x5000, s1;
	s9 =	sshra.s32 s7, $0x2;
	s4 =	sor.u32 s26, s10;
	v6 =	vld [tilespmem:s5+$0x180];
	v2 =	vadd.f32 v4, v2;
	v0 =	vmul.f32 $2.642899740e-05, v0  }
0xb9: {  	s10 =	sor.u32 s13, s1;
	s20 =	sor.u32 s2, s1;
	s0 =	sor.u32 s0, s1;
	v4 =	vld [tilespmem:s28+$0x100];
	v3 =	vadd.f32 v3, v9;
	v1 =	vmul.f32 $1.600000000e+01, v1  }
0xba: {  	s13 =	smov.u32 s12;
	s2 =	smov.u32 s26;
	v9 =	vld [tilespmem:s3+$0x180];
	v2 =	vmul.f32 $1.600000000e+01, v2;
	[tilespmem:s0+$0x0] =	vst v0;
	s0 =	smov.u32 s11  }
0xbb: {  	s1 =	smov.u32 s8;
	v0 =	vld [tilespmem:s4+$0x180];
	v3 =	vmul.f32 $2.642899740e-05, v3;
	v1 =	vadd.f32 v1, v7  }
0xbc: {  	v7 =	vld [tilespmem:s5+$0x100];
	v5 =	vmul.f32 $1.600000000e+01, v5;
	v2 =	vadd.f32 v2, v8  }
0xbd: {  	v6 =	vmul.f32 $1.600000000e+01, v6;
	v8 =	vld [tilespmem:s28+$0x80];
	[tilespmem:s30+$0x5000] =	vst v3;
	v1 =	vmul.f32 $2.642899740e-05, v1;
	s30 =	smov.u32 s9  }
0xbe: {  	v10 =	vld [tilespmem:s3+$0x100];
	v11 =	vadd.f32 v4, v5;
	v2 =	vmul.f32 $2.642899740e-05, v2  }
.Ltmp1:
0xbf: {  	v9 =	vmul.f32 $1.600000000e+01, v9;
	v4 =	vld [tilespmem:s4+$0x100];
	[tilespmem:s10+$0x0] =	vst v1;
	(pc) =	sbr.rel @p0 .LBB2_4-.Ltmp1, $4  }
0xc0: {  	v3 =	vld [tilespmem:s5+$0x80];
	v5 =	vmul.f32 $1.600000000e+01, v0;
	v11 =	vmul.f32 $1.600000000e+01, v11;
	[tilespmem:s20+$0x0] =	vst v2  }
0xc1: {  	v2 =	vadd.f32 v7, v6;
	v0 =	vld [tilespmem:s28+$0x0]  }
0xc2: {  	v1 =	vld [tilespmem:s3+$0x80];
	v6 =	vadd.f32 v11, v8  }
0xc3: {  	s7 =	sadd.s32 $0x100, s7;
	s8 =	sadd.s32 $0x40, s8;
	v7 =	vmul.f32 $1.600000000e+01, v2;
	v8 =	vadd.f32 v10, v9;
	v2 =	vld [tilespmem:s4+$0x80]  }
0xc4: {  	v4 =	vadd.f32 v4, v5  }
0xc5: {  	v60 =	vld [tilespmem:s5+$0x0];
	v8 =	vmul.f32 $1.600000000e+01, v8  }
0xc6: {  	v61 =	vld [tilespmem:s3+$0x0];
	v3 =	vadd.f32 v7, v3;
	v4 =	vmul.f32 $1.600000000e+01, v4  }
0xc7: {  	v6 =	vmul.f32 $1.600000000e+01, v6;
	v9 =	vld [tilespmem:s4+$0x0];
	v1 =	vadd.f32 v8, v1  }
0xc8: {  	v3 =	vmul.f32 $1.600000000e+01, v3;
	v2 =	vadd.f32 v4, v2  }
0xc9: {  	v0 =	vadd.f32 v6, v0;
	v1 =	vmul.f32 $1.600000000e+01, v1  }
0xca: {  	s1 =	sand.u32 $0x180, s1;
	v3 =	vadd.f32 v3, v60;
	v2 =	vmul.f32 $1.600000000e+01, v2  }
0xcb: {  	s1 =	sor.u32 $0x5000, s1;
	v0 =	vmul.f32 $2.642899740e-05, v0;
	v1 =	vadd.f32 v1, v61  }
0xcc: {  	s0 =	sor.u32 s0, s1;
	v3 =	vmul.f32 $2.642899740e-05, v3;
	v2 =	vadd.f32 v2, v9  }
0xcd: {  	[tilespmem:s0+$0x0] =	vst v0;
	v62 =	vmul.f32 $2.642899740e-05, v1  }
0xce: {  	s28 =	sor.u32 s13, s1;
	[tilespmem:s30+$0x5000] =	vst v3;
	v63 =	vmul.f32 $2.642899740e-05, v2  }
0xcf: {  	s1 =	sor.u32 s2, s1;
	[tilespmem:s28+$0x0] =	vst v62  }
0xd0: {  	[tilespmem:s1+$0x0] =	vst v63  }
0xd1: {  	s3 =	simm.s32 $0x200;
	s4 =	simm.s32 $0x5000;
	s0 =	rddreg [dreg:$0xe]  }
0xd2: {  	[hbm4b:s0+s14] =	stream.strided.scatter [tilespmem:s4], [sflag:$0x7], $0x200, s3, s14, $0x38;
	[tilespmem:$0x6800] =	vst v63  }
0xd3: {  	_ =	swait.ge [sflag:s29], $0x200  }
0xd4: {  	s31 =	sadd.s32 $0x1, s31;
	s30 =	rddreg [dreg:$0xf]  }
0xd5: {  	p0 =	sne.s32 s31, s30  }
.Ltmp2:
0xd6: {  	_ = 	snop;
	(pc) =	sbr.rel @p0 .LBB2_1-.Ltmp2, $3  }
0xd7: {  	_ =	sdelay $0x1  }
0xd8: {  	[sflag:s29] =	ssyncset.done $0x0  }
0xd9: {  	[sflag:s29] =	ssyncadd.s32 $0xFFFFFE00  }
0xda: {  	_ =	sfence.sel $0x180000  }
0xdb: {  	[bflag:$0x0] =	sbarrier.arrive $0xFFFF  }
0xdc: {  	_ =	strace $0x90000047  }
0xdd: {  	s0 =	stileid.u32;
	[bflag:$0x2] =	sbarrier.arrive $0xFFFF  }
0xde: {  	p0 =	sne.s32 s0, $0x0;
	s0 =	rddreg [dreg:$0x5]  }
0xdf: {  	s0 =	sadd.s32 @!p0 $0x100000, s0  }
0xe0: {  	[sflag:s0] =	ssyncadd.tile.s32 @!p0 $0x1;
	_ =	shalt  }
.Lfunc_end2:
_tile_overlayer_lowered:
.L_overlay_start_2:
0xe1: {  	(tag) =	ssettag $0x2  }
0xe2: {  	s0 =	rddreg [dreg:$0x0];
	s2 =	stileid.u32  }
0xe3: {  	s1 =	rddreg [dreg:$0x1];
	p0 =	sne.s32 s2, $0x0  }
0xe4: {  	s3 =	rddreg [dreg:$0x2];
	[bflag:$0x3] =	sbarrier.arrive $0xFFFF;
	s2 =	simm.s32 @!p0 $0x1C07  }
0xe5: {  	[timem:s3], [sflag:s2] =	dma.local @!p0 [hbm:s0], s1  }
0xe6: {  	s0 =	simm.s32 @!p0 $0x7  }
0xe7: {  	_ =	swait.ge @!p0 [sflag:s0], s1  }
0xe8: {  	s1 =	ssub.s32 @!p0 $0x0, s1;
	[sflag:s0] =	ssyncset.done @!p0 $0x0  }
0xe9: {  	[sflag:s0] =	ssyncadd.s32 @!p0 s1  }
0xea: {  	[bflag:$0x3] =	sbarrier.arrive $0xFFFF  }
0xeb: {  	_ =	shalt  }

</sc_bundles>
